<compile_context>
chip_gen: v7x
topology: tpu7x:2x2x1
jax: 0.10.2.dev20260603
libtpu: 0.0.44.dev20260713+nightly
codegen_flags: <defaults>
</compile_context>

<pallas_src>
import functools

import jax
import jax.numpy as jnp
from jax import lax
from jax.experimental import pallas as pl
from jax.experimental.pallas import tpu as pltpu, tpu_sc as plsc

NC = 2
NS = 16
L = 16
B = 8
T = 512 * 512
NB = 1024
HI = 12.0
INV_W = NB / HI
WQ = 8192
PER_TEC = T // 4
NWIN = PER_TEC // WQ
NSTEP = WQ // L
HB = 2 * NB
HSTRIDE = HB + 1
ROW = 2 * HB + L


def _hist_body(logit_hbm, truth_hbm, out_hbm, cnt_ref, sum_ref, stage_l,
               stage_t, pub, sem_l, sem_t):
    c = lax.axis_index("c")
    s = lax.axis_index("s")
    sample = c * 4 + s // 4
    w = s % 4
    base = w * PER_TEC

    lane = lax.broadcasted_iota(jnp.int32, (L,), 0)
    lane_off = lane * HSTRIDE
    zeros16 = jnp.zeros((L,), jnp.float32)
    ones16 = jnp.ones((L,), jnp.float32)

    @plsc.parallel_loop(0, (L * HSTRIDE + L - 1) // L, 1, unroll=8)
    def _zero(j):
        o = pl.multiple_of(j * L, 8)
        cnt_ref[pl.ds(o, L)] = zeros16
        sum_ref[pl.ds(o, L)] = zeros16

    def start_fetch(win, buf):
        off = base + win * WQ
        pltpu.async_copy(logit_hbm.at[sample, pl.ds(off, WQ)],
                         stage_l.at[buf], sem_l)
        pltpu.async_copy(truth_hbm.at[sample, pl.ds(off, WQ)],
                         stage_t.at[buf], sem_t)

    def wait_fetch(buf):
        pltpu.make_async_copy(logit_hbm.at[sample, pl.ds(0, WQ)],
                              stage_l.at[buf], sem_l).wait()
        pltpu.make_async_copy(truth_hbm.at[sample, pl.ds(0, WQ)],
                              stage_t.at[buf], sem_t).wait()

    start_fetch(0, 0)

    def win_body(win, t_acc):
        buf = lax.rem(win, 2)

        @pl.when(win + 1 < NWIN)
        def _prefetch():
            start_fetch(win + 1, 1 - buf)

        wait_fetch(buf)

        @plsc.parallel_loop(0, NSTEP, 1, unroll=8, carry=t_acc)
        def acc_out(i, acc):
            o = pl.multiple_of(i * L, 8)
            lv = stage_l[buf, pl.ds(o, L)]
            tv = stage_t[buf, pl.ds(o, L)]
            h = (lv + 1.0) + tv * (4.0 - (lv + lv))
            msk = h > 0.0
            bidx_f = jnp.minimum(h * INV_W, NB - 1.0) + tv * float(NB)
            idx = bidx_f.astype(jnp.int32) + lane_off
            plsc.addupdate_scatter(cnt_ref, [idx], ones16, mask=msk)
            plsc.addupdate_scatter(sum_ref, [idx], h, mask=msk)
            return acc + tv
        return acc_out

    t_acc = lax.fori_loop(0, NWIN, win_body, zeros16)

    @plsc.parallel_loop(0, HB // L, 1, unroll=2)
    def _red(j):
        o = pl.multiple_of(j * L, 8)
        acc_c = cnt_ref[pl.ds(o, L)]
        acc_s = sum_ref[pl.ds(o, L)]
        for l in range(1, L):
            acc_c = acc_c + cnt_ref[pl.ds(l * HSTRIDE + o, L)]
            acc_s = acc_s + sum_ref[pl.ds(l * HSTRIDE + o, L)]
        pub[pl.ds(o, L)] = acc_c
        pub[pl.ds(HB + o, L)] = acc_s

    pub[pl.ds(2 * HB, L)] = jnp.broadcast_to(
        lax.reduce_sum_p.bind(t_acc, axes=(0,)), (L,))
    pltpu.sync_copy(pub, out_hbm.at[sample * 4 + w])


def _finalize_body(part_ref, out_ref):
    p = part_ref[...].reshape(B, 4, ROW).sum(axis=1)
    m0 = p[:, 0:NB]
    m1 = p[:, NB:HB]
    a0 = p[:, HB:HB + NB]
    a1 = p[:, HB + NB:2 * HB]
    S = p[:, 2 * HB:2 * HB + 1]

    def cumsum_asc(x):
        k = 1
        while k < NB:
            shifted = pltpu.roll(x, k, axis=1)
            col = lax.broadcasted_iota(jnp.int32, (B, NB), 1)
            x = x + jnp.where(col >= k, shifted, 0.0)
            k *= 2
        return x

    i0 = cumsum_asc(m0)
    i1 = cumsum_asc(m1)
    tot0 = i0[:, NB - 1:NB]
    tot1 = i1[:, NB - 1:NB]
    Z = tot0 - i0
    C = tot1 - i1
    den = S + Z
    term = a1 / den + a0 * (S - C - m1) / (den * (den + m0))
    out_ref[...] = jnp.sum(term, axis=1, keepdims=True) * (1.0 / B)


@jax.jit
def kernel(logit_pixel, truth_pixel):
    logit = logit_pixel.reshape(B, T)
    truth = truth_pixel.reshape(B, T)
    mesh = plsc.VectorSubcoreMesh(
        core_axis_name="c", subcore_axis_name="s", num_cores=NC,
        num_subcores=NS)
    hist = pl.kernel(
        _hist_body,
        out_type=jax.ShapeDtypeStruct((4 * B, ROW), jnp.float32),
        mesh=mesh,
        compiler_params=pltpu.CompilerParams(needs_layout_passes=False),
        scratch_types=[
            pltpu.VMEM((L * HSTRIDE + L,), jnp.float32),
            pltpu.VMEM((L * HSTRIDE + L,), jnp.float32),
            pltpu.VMEM((2, WQ), jnp.float32),
            pltpu.VMEM((2, WQ), jnp.float32),
            pltpu.VMEM((ROW,), jnp.float32),
            pltpu.SemaphoreType.DMA,
            pltpu.SemaphoreType.DMA,
        ],
    )
    partials = hist(logit, truth)
    per_sample = pl.pallas_call(
        _finalize_body,
        out_shape=jax.ShapeDtypeStruct((B, 1), jnp.float32),
    )(partials)
    return jnp.sum(per_sample)

# --- scband reference (transcript-rebuilt; emitter-appended) ---
"""Pipeline reference for scband-lovasz-loss-32976758899316 (READ-ONLY COPY).

The authoritative reference and input builder live on the scoring server;
editing this copy changes nothing except your own understanding.
"""

import jax, jax.numpy as jnp
import numpy as np

MARGIN0 = 1.0
MARGIN1 = 5.0


def setup_inputs(seed: int = 0) -> dict:
    key = jax.random.key(seed)
    k1, k2 = jax.random.split(key)
    logit_pixel = jax.random.normal(k1, (8, 512, 512), dtype=jnp.float32)
    truth_pixel = jax.random.randint(k2, (8, 512, 512), 0, 2).astype(jnp.float32)
    return {"logit_pixel": logit_pixel, "truth_pixel": truth_pixel}


def _lovasz_hinge_one(logit, truth):
    # logit, truth: 1-D float32 vectors of length T
    m = jax.lax.stop_gradient(truth)
    m = m * (MARGIN1 - MARGIN0) + MARGIN0
    truth = truth.astype(jnp.float32)
    sign = 2.0 * truth - 1.0
    hinge = m - logit * sign
    # sort descending, keep permutation (matches torch.sort(descending=True))
    permutation = jnp.argsort(-hinge)
    hinge_sorted = hinge[permutation]
    hinge_sorted = jax.nn.relu(hinge_sorted)
    truth_sorted = truth[permutation]
    # compute lovasz gradient
    truth_sum = truth_sorted.sum()
    intersection = truth_sum - jnp.cumsum(truth_sorted)
    union = truth_sum + jnp.cumsum(1.0 - truth_sorted)
    jaccard = 1.0 - intersection / union
    gradient = jnp.concatenate([jaccard[:1], jaccard[1:] - jaccard[:-1]])
    return jnp.dot(hinge_sorted, gradient)


def reference(logit_pixel, truth_pixel):
    batch_size = logit_pixel.shape[0]
    logit = logit_pixel.reshape(batch_size, -1)
    truth = truth_pixel.reshape(batch_size, -1)
    per_sample = jax.vmap(_lovasz_hinge_one)(logit, truth)
    return per_sample.mean()

if __name__ == "__main__":
    import jax
    _d = setup_inputs()
    print(jax.jit(kernel)(*tuple(_d.values())))

</pallas_src>

<mosaic_0001>
#map = affine_map<(d0, d1) -> (0, 0)>
module attributes {stable_mosaic.version = 14 : i64} {
  func.func @_hist_body(%arg0: i32, %arg1: i32, %arg2: memref<8x262144xf32, #tpu.memory_space<hbm>>, %arg3: memref<8x262144xf32, #tpu.memory_space<hbm>>, %arg4: memref<32x4112xf32, #tpu.memory_space<hbm>>, %arg5: memref<32800xf32, #tpu.memory_space<vmem>>, %arg6: memref<32800xf32, #tpu.memory_space<vmem>>, %arg7: memref<2x8192xf32, #tpu.memory_space<vmem>>, %arg8: memref<2x8192xf32, #tpu.memory_space<vmem>>, %arg9: memref<4112xf32, #tpu.memory_space<vmem>>, %arg10: memref<!tpu.dma_semaphore, #tpu.memory_space<semaphore_mem>>, %arg11: memref<!tpu.dma_semaphore, #tpu.memory_space<semaphore_mem>>) attributes {dimension_semantics = [#tpu.dimension_semantics<core_parallel>, #tpu.dimension_semantics<subcore_parallel>], iteration_bounds = array<i64: 2, 16>, scalar_prefetch = 0 : i64, scratch_operands = 7 : i64, tpu.core_type = #tpu.core_type<sc_vector_subcore>, window_params = [{transform_indices = #map}, {transform_indices = #map}, {transform_indices = #map}]} {
    %mul3A = arith.constant 4 : i32
    %mul3A_0 = arith.muli %arg0, %mul3A : i32
    %jit3A = arith.constant 4 : i32
    %div3A = arith.divsi %arg1, %jit3A : i32
    %sign3A = arith.constant 0 : i32
    %sign3A_1 = arith.cmpi sgt, %arg1, %sign3A : i32
    %sign3A_2 = arith.extui %sign3A_1 : i1 to i32
    %sign3A_3 = arith.constant 0 : i32
    %sign3A_4 = arith.cmpi slt, %arg1, %sign3A_3 : i32
    %sign3A_5 = arith.extui %sign3A_4 : i1 to i32
    %sign3A_6 = arith.subi %sign3A_2, %sign3A_5 : i32
    %sign3A_7 = arith.constant 0 : i32
    %sign3A_8 = arith.cmpi sgt, %jit3A, %sign3A_7 : i32
    %sign3A_9 = arith.extui %sign3A_8 : i1 to i32
    %sign3A_10 = arith.constant 0 : i32
    %sign3A_11 = arith.cmpi slt, %jit3A, %sign3A_10 : i32
    %sign3A_12 = arith.extui %sign3A_11 : i1 to i32
    %sign3A_13 = arith.subi %sign3A_9, %sign3A_12 : i32
    %ne3A = arith.cmpi ne, %sign3A_6, %sign3A_13 : i32
    %rem3A = arith.remsi %arg1, %jit3A : i32
    %ne3A_14 = arith.constant 0 : i32
    %ne3A_15 = arith.cmpi ne, %rem3A, %ne3A_14 : i32
    %and3A = arith.andi %ne3A, %ne3A_15 : i1
    %sub3A = arith.constant 1 : i32
    %sub3A_16 = arith.subi %div3A, %sub3A : i32
    %select_n3A = arith.select %and3A, %sub3A_16, %div3A : i32
    %add3A = arith.addi %mul3A_0, %select_n3A : i32
    %jit3A_17 = arith.constant 4 : i32
    %eq3A = arith.constant 0 : i32
    %eq3A_18 = arith.cmpi eq, %jit3A_17, %eq3A : i32
    %jit3A_19 = arith.constant 1 : i32
    %select_n3A_20 = arith.select %eq3A_18, %jit3A_19, %jit3A_17 : i32
    %rem3A_21 = arith.remsi %arg1, %select_n3A_20 : i32
    %ne3A_22 = arith.constant 0 : i32
    %ne3A_23 = arith.cmpi ne, %rem3A_21, %ne3A_22 : i32
    %lt3A = arith.constant 0 : i32
    %lt3A_24 = arith.cmpi slt, %rem3A_21, %lt3A : i32
    %lt3A_25 = arith.constant 0 : i32
    %lt3A_26 = arith.cmpi slt, %select_n3A_20, %lt3A_25 : i32
    %ne3A_27 = arith.xori %lt3A_24, %lt3A_26 : i1
    %and3A_28 = arith.andi %ne3A_27, %ne3A_23 : i1
    %add3A_29 = arith.addi %rem3A_21, %select_n3A_20 : i32
    %select_n3A_30 = arith.select %and3A_28, %add3A_29, %rem3A_21 : i32
    %mul3A_31 = arith.constant 65536 : i32
    %mul3A_32 = arith.muli %select_n3A_30, %mul3A_31 : i32
    %iota3A = tpu.iota {dimensions = array<i32: 0>} : vector<16xi32>
    %mul3A_33 = arith.constant 2049 : i32
    %mul3A_34 = vector.broadcast %mul3A_33 : i32 to vector<16xi32>
    %mul3A_35 = arith.muli %iota3A, %mul3A_34 : vector<16xi32>
    %broadcast_in_dim3A = arith.constant 0.000000e+00 : f32
    %broadcast_in_dim3A_36 = vector.broadcast %broadcast_in_dim3A : f32 to vector<16xf32>
    %broadcast_in_dim3A_37 = arith.constant 1.000000e+00 : f32
    %broadcast_in_dim3A_38 = vector.broadcast %broadcast_in_dim3A_37 : f32 to vector<16xf32>
    %parallel_loop3A = arith.constant 0 : i32
    %parallel_loop3A_39 = arith.constant 2049 : i32
    %parallel_loop3A_40 = arith.constant 1 : i32
    scf.for %parallel_loop3A_80 = %parallel_loop3A to %parallel_loop3A_39 step %parallel_loop3A_40  : i32 {
      %parallel_loop3A_81 = arith.constant 16 : i32
      %parallel_loop3A_82 = arith.muli %parallel_loop3A_80, %parallel_loop3A_81 : i32
      %parallel_loop3A_83 = tpu.assume_multiple %parallel_loop3A_82, 8 : i32
      %parallel_loop3A_84 = arith.index_cast %parallel_loop3A_83 : i32 to index
      %parallel_loop3A_85 = tpu.vector_load %arg5[%parallel_loop3A_84] {strides = array<i32>} : memref<32800xf32, #tpu.memory_space<vmem>>, vector<16xf32>,
      tpu.vector_store %arg5[%parallel_loop3A_84], %broadcast_in_dim3A_36 {strides = array<i32>} : memref<32800xf32, #tpu.memory_space<vmem>>, vector<16xf32>,
      %parallel_loop3A_86 = arith.index_cast %parallel_loop3A_83 : i32 to index
      %parallel_loop3A_87 = tpu.vector_load %arg6[%parallel_loop3A_86] {strides = array<i32>} : memref<32800xf32, #tpu.memory_space<vmem>>, vector<16xf32>,
      tpu.vector_store %arg6[%parallel_loop3A_86], %broadcast_in_dim3A_36 {strides = array<i32>} : memref<32800xf32, #tpu.memory_space<vmem>>, vector<16xf32>,
    } {sc.loop_unroll_factor = 8 : i64, sc.parallel_access}
    %add3A_41 = arith.constant 0 : i32
    %add3A_42 = arith.addi %mul3A_32, %add3A_41 : i32
    %dma_start3A = arith.constant 0 : i32
    %dma_start3A_43 = arith.constant 0 : i32
    %dma_start3A_44 = tpu.memref_slice %arg7[%dma_start3A, %dma_start3A_43] : memref<2x8192xf32, #tpu.memory_space<vmem>> -> memref<1x8192xf32, #tpu.memory_space<vmem>>
    %dma_start3A_45 = tpu.memref_squeeze %dma_start3A_44 : memref<1x8192xf32, #tpu.memory_space<vmem>> -> memref<8192xf32, #tpu.memory_space<vmem>>
    %dma_start3A_46 = tpu.memref_slice %arg2[%add3A, %add3A_42] : memref<8x262144xf32, #tpu.memory_space<hbm>> -> memref<1x8192xf32, #tpu.memory_space<hbm>>
    %dma_start3A_47 = tpu.memref_squeeze %dma_start3A_46 : memref<1x8192xf32, #tpu.memory_space<hbm>> -> memref<8192xf32, #tpu.memory_space<hbm>>
    %dma_start3A_48 = arith.constant 0 : i32
    %dma_start3A_49 = tpu.memref_slice %arg7[%dma_start3A, %dma_start3A_48] : memref<2x8192xf32, #tpu.memory_space<vmem>> -> memref<1x8192xf32, #tpu.memory_space<vmem>>
    %dma_start3A_50 = tpu.memref_squeeze %dma_start3A_49 : memref<1x8192xf32, #tpu.memory_space<vmem>> -> memref<8192xf32, #tpu.memory_space<vmem>>
    %dma_start3A_51 = tpu.memref_slice %arg2[%add3A, %add3A_42] : memref<8x262144xf32, #tpu.memory_space<hbm>> -> memref<1x8192xf32, #tpu.memory_space<hbm>>
    %dma_start3A_52 = tpu.memref_squeeze %dma_start3A_51 : memref<1x8192xf32, #tpu.memory_space<hbm>> -> memref<8192xf32, #tpu.memory_space<hbm>>
    tpu.enqueue_dma source(%dma_start3A_52 : memref<8192xf32, #tpu.memory_space<hbm>>) target(%dma_start3A_50 : memref<8192xf32, #tpu.memory_space<vmem>>) target_semaphore(%arg10 : memref<!tpu.dma_semaphore, #tpu.memory_space<semaphore_mem>>)
    %dma_start3A_53 = arith.constant 0 : i32
    %dma_start3A_54 = arith.constant 0 : i32
    %dma_start3A_55 = tpu.memref_slice %arg8[%dma_start3A_53, %dma_start3A_54] : memref<2x8192xf32, #tpu.memory_space<vmem>> -> memref<1x8192xf32, #tpu.memory_space<vmem>>
    %dma_start3A_56 = tpu.memref_squeeze %dma_start3A_55 : memref<1x8192xf32, #tpu.memory_space<vmem>> -> memref<8192xf32, #tpu.memory_space<vmem>>
    %dma_start3A_57 = tpu.memref_slice %arg3[%add3A, %add3A_42] : memref<8x262144xf32, #tpu.memory_space<hbm>> -> memref<1x8192xf32, #tpu.memory_space<hbm>>
    %dma_start3A_58 = tpu.memref_squeeze %dma_start3A_57 : memref<1x8192xf32, #tpu.memory_space<hbm>> -> memref<8192xf32, #tpu.memory_space<hbm>>
    %dma_start3A_59 = arith.constant 0 : i32
    %dma_start3A_60 = tpu.memref_slice %arg8[%dma_start3A_53, %dma_start3A_59] : memref<2x8192xf32, #tpu.memory_space<vmem>> -> memref<1x8192xf32, #tpu.memory_space<vmem>>
    %dma_start3A_61 = tpu.memref_squeeze %dma_start3A_60 : memref<1x8192xf32, #tpu.memory_space<vmem>> -> memref<8192xf32, #tpu.memory_space<vmem>>
    %dma_start3A_62 = tpu.memref_slice %arg3[%add3A, %add3A_42] : memref<8x262144xf32, #tpu.memory_space<hbm>> -> memref<1x8192xf32, #tpu.memory_space<hbm>>
    %dma_start3A_63 = tpu.memref_squeeze %dma_start3A_62 : memref<1x8192xf32, #tpu.memory_space<hbm>> -> memref<8192xf32, #tpu.memory_space<hbm>>
    tpu.enqueue_dma source(%dma_start3A_63 : memref<8192xf32, #tpu.memory_space<hbm>>) target(%dma_start3A_61 : memref<8192xf32, #tpu.memory_space<vmem>>) target_semaphore(%arg11 : memref<!tpu.dma_semaphore, #tpu.memory_space<semaphore_mem>>)
    %scan3A = arith.constant 0 : i32
    %scan3A_64 = arith.constant 8 : i32
    %scan3A_65 = arith.addi %scan3A, %scan3A_64 : i32
    %scan3A_66 = arith.constant 1 : i32
    %scan3A_67 = scf.for %scan3A_80 = %scan3A to %scan3A_65 step %scan3A_66 iter_args(%scan3A_81 = %broadcast_in_dim3A_36) -> (vector<16xf32>)  : i32 {
      %rem3A_82 = arith.constant 2 : i32
      %rem3A_83 = arith.remsi %scan3A_80, %rem3A_82 : i32
      %add3A_84 = arith.constant 1 : i32
      %add3A_85 = arith.addi %scan3A_80, %add3A_84 : i32
      %lt3A_86 = arith.constant 8 : i32
      %lt3A_87 = arith.cmpi slt, %add3A_85, %lt3A_86 : i32
      %convert_element_type3A = arith.extui %lt3A_87 : i1 to i32
      %cond3A = arith.constant 0 : i32
      %cond3A_88 = arith.cmpi ne, %convert_element_type3A, %cond3A : i32
      scf.if %cond3A_88 {
        %add3A_116 = arith.constant 1 : i32
        %add3A_117 = arith.addi %scan3A_80, %add3A_116 : i32
        %sub3A_118 = arith.constant 1 : i32
        %sub3A_119 = arith.subi %sub3A_118, %rem3A_83 : i32
        %mul3A_120 = arith.constant 8192 : i32
        %mul3A_121 = arith.muli %add3A_117, %mul3A_120 : i32
        %add3A_122 = arith.addi %mul3A_32, %mul3A_121 : i32
        %dma_start3A_123 = arith.constant 0 : i32
        %dma_start3A_124 = tpu.memref_slice %arg7[%sub3A_119, %dma_start3A_123] : memref<2x8192xf32, #tpu.memory_space<vmem>> -> memref<1x8192xf32, #tpu.memory_space<vmem>>
        %dma_start3A_125 = tpu.memref_squeeze %dma_start3A_124 : memref<1x8192xf32, #tpu.memory_space<vmem>> -> memref<8192xf32, #tpu.memory_space<vmem>>
        %dma_start3A_126 = tpu.memref_slice %arg2[%add3A, %add3A_122] : memref<8x262144xf32, #tpu.memory_space<hbm>> -> memref<1x8192xf32, #tpu.memory_space<hbm>>
        %dma_start3A_127 = tpu.memref_squeeze %dma_start3A_126 : memref<1x8192xf32, #tpu.memory_space<hbm>> -> memref<8192xf32, #tpu.memory_space<hbm>>
        %dma_start3A_128 = arith.constant 0 : i32
        %dma_start3A_129 = tpu.memref_slice %arg7[%sub3A_119, %dma_start3A_128] : memref<2x8192xf32, #tpu.memory_space<vmem>> -> memref<1x8192xf32, #tpu.memory_space<vmem>>
        %dma_start3A_130 = tpu.memref_squeeze %dma_start3A_129 : memref<1x8192xf32, #tpu.memory_space<vmem>> -> memref<8192xf32, #tpu.memory_space<vmem>>
        %dma_start3A_131 = tpu.memref_slice %arg2[%add3A, %add3A_122] : memref<8x262144xf32, #tpu.memory_space<hbm>> -> memref<1x8192xf32, #tpu.memory_space<hbm>>
        %dma_start3A_132 = tpu.memref_squeeze %dma_start3A_131 : memref<1x8192xf32, #tpu.memory_space<hbm>> -> memref<8192xf32, #tpu.memory_space<hbm>>
        tpu.enqueue_dma source(%dma_start3A_132 : memref<8192xf32, #tpu.memory_space<hbm>>) target(%dma_start3A_130 : memref<8192xf32, #tpu.memory_space<vmem>>) target_semaphore(%arg10 : memref<!tpu.dma_semaphore, #tpu.memory_space<semaphore_mem>>)
        %dma_start3A_133 = arith.constant 0 : i32
        %dma_start3A_134 = tpu.memref_slice %arg8[%sub3A_119, %dma_start3A_133] : memref<2x8192xf32, #tpu.memory_space<vmem>> -> memref<1x8192xf32, #tpu.memory_space<vmem>>
        %dma_start3A_135 = tpu.memref_squeeze %dma_start3A_134 : memref<1x8192xf32, #tpu.memory_space<vmem>> -> memref<8192xf32, #tpu.memory_space<vmem>>
        %dma_start3A_136 = tpu.memref_slice %arg3[%add3A, %add3A_122] : memref<8x262144xf32, #tpu.memory_space<hbm>> -> memref<1x8192xf32, #tpu.memory_space<hbm>>
        %dma_start3A_137 = tpu.memref_squeeze %dma_start3A_136 : memref<1x8192xf32, #tpu.memory_space<hbm>> -> memref<8192xf32, #tpu.memory_space<hbm>>
        %dma_start3A_138 = arith.constant 0 : i32
        %dma_start3A_139 = tpu.memref_slice %arg8[%sub3A_119, %dma_start3A_138] : memref<2x8192xf32, #tpu.memory_space<vmem>> -> memref<1x8192xf32, #tpu.memory_space<vmem>>
        %dma_start3A_140 = tpu.memref_squeeze %dma_start3A_139 : memref<1x8192xf32, #tpu.memory_space<vmem>> -> memref<8192xf32, #tpu.memory_space<vmem>>
        %dma_start3A_141 = tpu.memref_slice %arg3[%add3A, %add3A_122] : memref<8x262144xf32, #tpu.memory_space<hbm>> -> memref<1x8192xf32, #tpu.memory_space<hbm>>
        %dma_start3A_142 = tpu.memref_squeeze %dma_start3A_141 : memref<1x8192xf32, #tpu.memory_space<hbm>> -> memref<8192xf32, #tpu.memory_space<hbm>>
        tpu.enqueue_dma source(%dma_start3A_142 : memref<8192xf32, #tpu.memory_space<hbm>>) target(%dma_start3A_140 : memref<8192xf32, #tpu.memory_space<vmem>>) target_semaphore(%arg11 : memref<!tpu.dma_semaphore, #tpu.memory_space<semaphore_mem>>)
      } else {
      }
      %dma_wait3A = arith.constant 0 : i32
      %dma_wait3A_89 = tpu.memref_slice %arg7[%rem3A_83, %dma_wait3A] : memref<2x8192xf32, #tpu.memory_space<vmem>> -> memref<1x8192xf32, #tpu.memory_space<vmem>>
      %dma_wait3A_90 = tpu.memref_squeeze %dma_wait3A_89 : memref<1x8192xf32, #tpu.memory_space<vmem>> -> memref<8192xf32, #tpu.memory_space<vmem>>
      %dma_wait3A_91 = arith.constant 0 : i32
      %dma_wait3A_92 = tpu.memref_slice %arg2[%add3A, %dma_wait3A_91] : memref<8x262144xf32, #tpu.memory_space<hbm>> -> memref<1x8192xf32, #tpu.memory_space<hbm>>
      %dma_wait3A_93 = tpu.memref_squeeze %dma_wait3A_92 : memref<1x8192xf32, #tpu.memory_space<hbm>> -> memref<8192xf32, #tpu.memory_space<hbm>>
      %dma_wait3A_94 = arith.constant 0 : i32
      %dma_wait3A_95 = tpu.memref_slice %arg7[%rem3A_83, %dma_wait3A_94] : memref<2x8192xf32, #tpu.memory_space<vmem>> -> memref<1x8192xf32, #tpu.memory_space<vmem>>
      %dma_wait3A_96 = tpu.memref_squeeze %dma_wait3A_95 : memref<1x8192xf32, #tpu.memory_space<vmem>> -> memref<8192xf32, #tpu.memory_space<vmem>>
      %dma_wait3A_97 = arith.constant 0 : i32
      %dma_wait3A_98 = tpu.memref_slice %arg2[%add3A, %dma_wait3A_97] : memref<8x262144xf32, #tpu.memory_space<hbm>> -> memref<1x8192xf32, #tpu.memory_space<hbm>>
      %dma_wait3A_99 = tpu.memref_squeeze %dma_wait3A_98 : memref<1x8192xf32, #tpu.memory_space<hbm>> -> memref<8192xf32, #tpu.memory_space<hbm>>
      tpu.wait_dma2 semaphore(%arg10 : memref<!tpu.dma_semaphore, #tpu.memory_space<semaphore_mem>>) src(%dma_wait3A_99 : memref<8192xf32, #tpu.memory_space<hbm>>) dst(%dma_wait3A_96 : memref<8192xf32, #tpu.memory_space<vmem>>)
      %dma_wait3A_100 = arith.constant 0 : i32
      %dma_wait3A_101 = tpu.memref_slice %arg8[%rem3A_83, %dma_wait3A_100] : memref<2x8192xf32, #tpu.memory_space<vmem>> -> memref<1x8192xf32, #tpu.memory_space<vmem>>
      %dma_wait3A_102 = tpu.memref_squeeze %dma_wait3A_101 : memref<1x8192xf32, #tpu.memory_space<vmem>> -> memref<8192xf32, #tpu.memory_space<vmem>>
      %dma_wait3A_103 = arith.constant 0 : i32
      %dma_wait3A_104 = tpu.memref_slice %arg3[%add3A, %dma_wait3A_103] : memref<8x262144xf32, #tpu.memory_space<hbm>> -> memref<1x8192xf32, #tpu.memory_space<hbm>>
      %dma_wait3A_105 = tpu.memref_squeeze %dma_wait3A_104 : memref<1x8192xf32, #tpu.memory_space<hbm>> -> memref<8192xf32, #tpu.memory_space<hbm>>
      %dma_wait3A_106 = arith.constant 0 : i32
      %dma_wait3A_107 = tpu.memref_slice %arg8[%rem3A_83, %dma_wait3A_106] : memref<2x8192xf32, #tpu.memory_space<vmem>> -> memref<1x8192xf32, #tpu.memory_space<vmem>>
      %dma_wait3A_108 = tpu.memref_squeeze %dma_wait3A_107 : memref<1x8192xf32, #tpu.memory_space<vmem>> -> memref<8192xf32, #tpu.memory_space<vmem>>
      %dma_wait3A_109 = arith.constant 0 : i32
      %dma_wait3A_110 = tpu.memref_slice %arg3[%add3A, %dma_wait3A_109] : memref<8x262144xf32, #tpu.memory_space<hbm>> -> memref<1x8192xf32, #tpu.memory_space<hbm>>
      %dma_wait3A_111 = tpu.memref_squeeze %dma_wait3A_110 : memref<1x8192xf32, #tpu.memory_space<hbm>> -> memref<8192xf32, #tpu.memory_space<hbm>>
      tpu.wait_dma2 semaphore(%arg11 : memref<!tpu.dma_semaphore, #tpu.memory_space<semaphore_mem>>) src(%dma_wait3A_111 : memref<8192xf32, #tpu.memory_space<hbm>>) dst(%dma_wait3A_108 : memref<8192xf32, #tpu.memory_space<vmem>>)
      %parallel_loop3A_112 = arith.constant 0 : i32
      %parallel_loop3A_113 = arith.constant 512 : i32
      %parallel_loop3A_114 = arith.constant 1 : i32
      %parallel_loop3A_115 = scf.for %parallel_loop3A_116 = %parallel_loop3A_112 to %parallel_loop3A_113 step %parallel_loop3A_114 iter_args(%parallel_loop3A_117 = %scan3A_81) -> (vector<16xf32>)  : i32 {
        %parallel_loop3A_118 = arith.constant 16 : i32
        %parallel_loop3A_119 = arith.muli %parallel_loop3A_116, %parallel_loop3A_118 : i32
        %parallel_loop3A_120 = tpu.assume_multiple %parallel_loop3A_119, 8 : i32
        %parallel_loop3A_121 = arith.index_cast %rem3A_83 : i32 to index
        %parallel_loop3A_122 = arith.index_cast %parallel_loop3A_120 : i32 to index
        %parallel_loop3A_123 = tpu.vector_load %arg7[%parallel_loop3A_121, %parallel_loop3A_122] {strides = array<i32>} : memref<2x8192xf32, #tpu.memory_space<vmem>>, vector<16xf32>,
        %parallel_loop3A_124 = arith.index_cast %rem3A_83 : i32 to index
        %parallel_loop3A_125 = arith.index_cast %parallel_loop3A_120 : i32 to index
        %parallel_loop3A_126 = tpu.vector_load %arg8[%parallel_loop3A_124, %parallel_loop3A_125] {strides = array<i32>} : memref<2x8192xf32, #tpu.memory_space<vmem>>, vector<16xf32>,
        %parallel_loop3A_127 = arith.constant 1.000000e+00 : f32
        %parallel_loop3A_128 = vector.broadcast %parallel_loop3A_127 : f32 to vector<16xf32>
        %parallel_loop3A_129 = arith.addf %parallel_loop3A_123, %parallel_loop3A_128 : vector<16xf32>
        %parallel_loop3A_130 = arith.addf %parallel_loop3A_123, %parallel_loop3A_123 : vector<16xf32>
        %parallel_loop3A_131 = arith.constant 4.000000e+00 : f32
        %parallel_loop3A_132 = vector.broadcast %parallel_loop3A_131 : f32 to vector<16xf32>
        %parallel_loop3A_133 = arith.subf %parallel_loop3A_132, %parallel_loop3A_130 : vector<16xf32>
        %parallel_loop3A_134 = arith.mulf %parallel_loop3A_126, %parallel_loop3A_133 : vector<16xf32>
        %parallel_loop3A_135 = arith.addf %parallel_loop3A_129, %parallel_loop3A_134 : vector<16xf32>
        %parallel_loop3A_136 = arith.constant 0.000000e+00 : f32
        %parallel_loop3A_137 = vector.broadcast %parallel_loop3A_136 : f32 to vector<16xf32>
        %parallel_loop3A_138 = arith.cmpf ogt, %parallel_loop3A_135, %parallel_loop3A_137 : vector<16xf32>
        %parallel_loop3A_139 = arith.constant 85.3333359 : f32
        %parallel_loop3A_140 = vector.broadcast %parallel_loop3A_139 : f32 to vector<16xf32>
        %parallel_loop3A_141 = arith.mulf %parallel_loop3A_135, %parallel_loop3A_140 : vector<16xf32>
        %parallel_loop3A_142 = arith.constant 1.023000e+03 : f32
        %parallel_loop3A_143 = vector.broadcast %parallel_loop3A_142 : f32 to vector<16xf32>
        %parallel_loop3A_144 = arith.minimumf %parallel_loop3A_141, %parallel_loop3A_143 : vector<16xf32>
        %parallel_loop3A_145 = arith.constant 1.024000e+03 : f32
        %parallel_loop3A_146 = vector.broadcast %parallel_loop3A_145 : f32 to vector<16xf32>
        %parallel_loop3A_147 = arith.mulf %parallel_loop3A_126, %parallel_loop3A_146 : vector<16xf32>
        %parallel_loop3A_148 = arith.addf %parallel_loop3A_144, %parallel_loop3A_147 : vector<16xf32>
        %parallel_loop3A_149 = arith.fptosi %parallel_loop3A_148 : vector<16xf32> to vector<16xi32>
        %parallel_loop3A_150 = arith.addi %parallel_loop3A_149, %mul3A_35 : vector<16xi32>
        tpu.vector_store_idx %arg5[%parallel_loop3A_150], %broadcast_in_dim3A_38 masked %parallel_loop3A_138 {add = true} : memref<32800xf32, #tpu.memory_space<vmem>>[vector<16xi32>], vector<16xf32>, vector<16xi1>
        tpu.vector_store_idx %arg6[%parallel_loop3A_150], %parallel_loop3A_135 masked %parallel_loop3A_138 {add = true} : memref<32800xf32, #tpu.memory_space<vmem>>[vector<16xi32>], vector<16xf32>, vector<16xi1>
        %parallel_loop3A_151 = arith.addf %parallel_loop3A_117, %parallel_loop3A_126 : vector<16xf32>
        scf.yield %parallel_loop3A_151 : vector<16xf32>
      } {sc.loop_unroll_factor = 8 : i64, sc.parallel_access}
      scf.yield %parallel_loop3A_115 : vector<16xf32>
    }
    %scan3A_68 = arith.constant 8 : i32
    %parallel_loop3A_69 = arith.constant 0 : i32
    %parallel_loop3A_70 = arith.constant 128 : i32
    %parallel_loop3A_71 = arith.constant 1 : i32
    scf.for %parallel_loop3A_80 = %parallel_loop3A_69 to %parallel_loop3A_70 step %parallel_loop3A_71  : i32 {
      %parallel_loop3A_81 = arith.constant 16 : i32
      %parallel_loop3A_82 = arith.muli %parallel_loop3A_80, %parallel_loop3A_81 : i32
      %parallel_loop3A_83 = tpu.assume_multiple %parallel_loop3A_82, 8 : i32
      %parallel_loop3A_84 = arith.index_cast %parallel_loop3A_83 : i32 to index
      %parallel_loop3A_85 = tpu.vector_load %arg5[%parallel_loop3A_84] {strides = array<i32>} : memref<32800xf32, #tpu.memory_space<vmem>>, vector<16xf32>,
      %parallel_loop3A_86 = arith.index_cast %parallel_loop3A_83 : i32 to index
      %parallel_loop3A_87 = tpu.vector_load %arg6[%parallel_loop3A_86] {strides = array<i32>} : memref<32800xf32, #tpu.memory_space<vmem>>, vector<16xf32>,
      %parallel_loop3A_88 = arith.constant 2049 : i32
      %parallel_loop3A_89 = arith.addi %parallel_loop3A_88, %parallel_loop3A_83 : i32
      %parallel_loop3A_90 = arith.index_cast %parallel_loop3A_89 : i32 to index
      %parallel_loop3A_91 = tpu.vector_load %arg5[%parallel_loop3A_90] {strides = array<i32>} : memref<32800xf32, #tpu.memory_space<vmem>>, vector<16xf32>,
      %parallel_loop3A_92 = arith.addf %parallel_loop3A_85, %parallel_loop3A_91 : vector<16xf32>
      %parallel_loop3A_93 = arith.constant 2049 : i32
      %parallel_loop3A_94 = arith.addi %parallel_loop3A_93, %parallel_loop3A_83 : i32
      %parallel_loop3A_95 = arith.index_cast %parallel_loop3A_94 : i32 to index
      %parallel_loop3A_96 = tpu.vector_load %arg6[%parallel_loop3A_95] {strides = array<i32>} : memref<32800xf32, #tpu.memory_space<vmem>>, vector<16xf32>,
      %parallel_loop3A_97 = arith.addf %parallel_loop3A_87, %parallel_loop3A_96 : vector<16xf32>
      %parallel_loop3A_98 = arith.constant 4098 : i32
      %parallel_loop3A_99 = arith.addi %parallel_loop3A_98, %parallel_loop3A_83 : i32
      %parallel_loop3A_100 = arith.index_cast %parallel_loop3A_99 : i32 to index
      %parallel_loop3A_101 = tpu.vector_load %arg5[%parallel_loop3A_100] {strides = array<i32>} : memref<32800xf32, #tpu.memory_space<vmem>>, vector<16xf32>,
      %parallel_loop3A_102 = arith.addf %parallel_loop3A_92, %parallel_loop3A_101 : vector<16xf32>
      %parallel_loop3A_103 = arith.constant 4098 : i32
      %parallel_loop3A_104 = arith.addi %parallel_loop3A_103, %parallel_loop3A_83 : i32
      %parallel_loop3A_105 = arith.index_cast %parallel_loop3A_104 : i32 to index
      %parallel_loop3A_106 = tpu.vector_load %arg6[%parallel_loop3A_105] {strides = array<i32>} : memref<32800xf32, #tpu.memory_space<vmem>>, vector<16xf32>,
      %parallel_loop3A_107 = arith.addf %parallel_loop3A_97, %parallel_loop3A_106 : vector<16xf32>
      %parallel_loop3A_108 = arith.constant 6147 : i32
      %parallel_loop3A_109 = arith.addi %parallel_loop3A_108, %parallel_loop3A_83 : i32
      %parallel_loop3A_110 = arith.index_cast %parallel_loop3A_109 : i32 to index
      %parallel_loop3A_111 = tpu.vector_load %arg5[%parallel_loop3A_110] {strides = array<i32>} : memref<32800xf32, #tpu.memory_space<vmem>>, vector<16xf32>,
      %parallel_loop3A_112 = arith.addf %parallel_loop3A_102, %parallel_loop3A_111 : vector<16xf32>
      %parallel_loop3A_113 = arith.constant 6147 : i32
      %parallel_loop3A_114 = arith.addi %parallel_loop3A_113, %parallel_loop3A_83 : i32
      %parallel_loop3A_115 = arith.index_cast %parallel_loop3A_114 : i32 to index
      %parallel_loop3A_116 = tpu.vector_load %arg6[%parallel_loop3A_115] {strides = array<i32>} : memref<32800xf32, #tpu.memory_space<vmem>>, vector<16xf32>,
      %parallel_loop3A_117 = arith.addf %parallel_loop3A_107, %parallel_loop3A_116 : vector<16xf32>
      %parallel_loop3A_118 = arith.constant 8196 : i32
      %parallel_loop3A_119 = arith.addi %parallel_loop3A_118, %parallel_loop3A_83 : i32
      %parallel_loop3A_120 = arith.index_cast %parallel_loop3A_119 : i32 to index
      %parallel_loop3A_121 = tpu.vector_load %arg5[%parallel_loop3A_120] {strides = array<i32>} : memref<32800xf32, #tpu.memory_space<vmem>>, vector<16xf32>,
      %parallel_loop3A_122 = arith.addf %parallel_loop3A_112, %parallel_loop3A_121 : vector<16xf32>
      %parallel_loop3A_123 = arith.constant 8196 : i32
      %parallel_loop3A_124 = arith.addi %parallel_loop3A_123, %parallel_loop3A_83 : i32
      %parallel_loop3A_125 = arith.index_cast %parallel_loop3A_124 : i32 to index
      %parallel_loop3A_126 = tpu.vector_load %arg6[%parallel_loop3A_125] {strides = array<i32>} : memref<32800xf32, #tpu.memory_space<vmem>>, vector<16xf32>,
      %parallel_loop3A_127 = arith.addf %parallel_loop3A_117, %parallel_loop3A_126 : vector<16xf32>
      %parallel_loop3A_128 = arith.constant 10245 : i32
      %parallel_loop3A_129 = arith.addi %parallel_loop3A_128, %parallel_loop3A_83 : i32
      %parallel_loop3A_130 = arith.index_cast %parallel_loop3A_129 : i32 to index
      %parallel_loop3A_131 = tpu.vector_load %arg5[%parallel_loop3A_130] {strides = array<i32>} : memref<32800xf32, #tpu.memory_space<vmem>>, vector<16xf32>,
      %parallel_loop3A_132 = arith.addf %parallel_loop3A_122, %parallel_loop3A_131 : vector<16xf32>
      %parallel_loop3A_133 = arith.constant 10245 : i32
      %parallel_loop3A_134 = arith.addi %parallel_loop3A_133, %parallel_loop3A_83 : i32
      %parallel_loop3A_135 = arith.index_cast %parallel_loop3A_134 : i32 to index
      %parallel_loop3A_136 = tpu.vector_load %arg6[%parallel_loop3A_135] {strides = array<i32>} : memref<32800xf32, #tpu.memory_space<vmem>>, vector<16xf32>,
      %parallel_loop3A_137 = arith.addf %parallel_loop3A_127, %parallel_loop3A_136 : vector<16xf32>
      %parallel_loop3A_138 = arith.constant 12294 : i32
      %parallel_loop3A_139 = arith.addi %parallel_loop3A_138, %parallel_loop3A_83 : i32
      %parallel_loop3A_140 = arith.index_cast %parallel_loop3A_139 : i32 to index
      %parallel_loop3A_141 = tpu.vector_load %arg5[%parallel_loop3A_140] {strides = array<i32>} : memref<32800xf32, #tpu.memory_space<vmem>>, vector<16xf32>,
      %parallel_loop3A_142 = arith.addf %parallel_loop3A_132, %parallel_loop3A_141 : vector<16xf32>
      %parallel_loop3A_143 = arith.constant 12294 : i32
      %parallel_loop3A_144 = arith.addi %parallel_loop3A_143, %parallel_loop3A_83 : i32
      %parallel_loop3A_145 = arith.index_cast %parallel_loop3A_144 : i32 to index
      %parallel_loop3A_146 = tpu.vector_load %arg6[%parallel_loop3A_145] {strides = array<i32>} : memref<32800xf32, #tpu.memory_space<vmem>>, vector<16xf32>,
      %parallel_loop3A_147 = arith.addf %parallel_loop3A_137, %parallel_loop3A_146 : vector<16xf32>
      %parallel_loop3A_148 = arith.constant 14343 : i32
      %parallel_loop3A_149 = arith.addi %parallel_loop3A_148, %parallel_loop3A_83 : i32
      %parallel_loop3A_150 = arith.index_cast %parallel_loop3A_149 : i32 to index
      %parallel_loop3A_151 = tpu.vector_load %arg5[%parallel_loop3A_150] {strides = array<i32>} : memref<32800xf32, #tpu.memory_space<vmem>>, vector<16xf32>,
      %parallel_loop3A_152 = arith.addf %parallel_loop3A_142, %parallel_loop3A_151 : vector<16xf32>
      %parallel_loop3A_153 = arith.constant 14343 : i32
      %parallel_loop3A_154 = arith.addi %parallel_loop3A_153, %parallel_loop3A_83 : i32
      %parallel_loop3A_155 = arith.index_cast %parallel_loop3A_154 : i32 to index
      %parallel_loop3A_156 = tpu.vector_load %arg6[%parallel_loop3A_155] {strides = array<i32>} : memref<32800xf32, #tpu.memory_space<vmem>>, vector<16xf32>,
      %parallel_loop3A_157 = arith.addf %parallel_loop3A_147, %parallel_loop3A_156 : vector<16xf32>
      %parallel_loop3A_158 = arith.constant 16392 : i32
      %parallel_loop3A_159 = arith.addi %parallel_loop3A_158, %parallel_loop3A_83 : i32
      %parallel_loop3A_160 = arith.index_cast %parallel_loop3A_159 : i32 to index
      %parallel_loop3A_161 = tpu.vector_load %arg5[%parallel_loop3A_160] {strides = array<i32>} : memref<32800xf32, #tpu.memory_space<vmem>>, vector<16xf32>,
      %parallel_loop3A_162 = arith.addf %parallel_loop3A_152, %parallel_loop3A_161 : vector<16xf32>
      %parallel_loop3A_163 = arith.constant 16392 : i32
      %parallel_loop3A_164 = arith.addi %parallel_loop3A_163, %parallel_loop3A_83 : i32
      %parallel_loop3A_165 = arith.index_cast %parallel_loop3A_164 : i32 to index
      %parallel_loop3A_166 = tpu.vector_load %arg6[%parallel_loop3A_165] {strides = array<i32>} : memref<32800xf32, #tpu.memory_space<vmem>>, vector<16xf32>,
      %parallel_loop3A_167 = arith.addf %parallel_loop3A_157, %parallel_loop3A_166 : vector<16xf32>
      %parallel_loop3A_168 = arith.constant 18441 : i32
      %parallel_loop3A_169 = arith.addi %parallel_loop3A_168, %parallel_loop3A_83 : i32
      %parallel_loop3A_170 = arith.index_cast %parallel_loop3A_169 : i32 to index
      %parallel_loop3A_171 = tpu.vector_load %arg5[%parallel_loop3A_170] {strides = array<i32>} : memref<32800xf32, #tpu.memory_space<vmem>>, vector<16xf32>,
      %parallel_loop3A_172 = arith.addf %parallel_loop3A_162, %parallel_loop3A_171 : vector<16xf32>
      %parallel_loop3A_173 = arith.constant 18441 : i32
      %parallel_loop3A_174 = arith.addi %parallel_loop3A_173, %parallel_loop3A_83 : i32
      %parallel_loop3A_175 = arith.index_cast %parallel_loop3A_174 : i32 to index
      %parallel_loop3A_176 = tpu.vector_load %arg6[%parallel_loop3A_175] {strides = array<i32>} : memref<32800xf32, #tpu.memory_space<vmem>>, vector<16xf32>,
      %parallel_loop3A_177 = arith.addf %parallel_loop3A_167, %parallel_loop3A_176 : vector<16xf32>
      %parallel_loop3A_178 = arith.constant 20490 : i32
      %parallel_loop3A_179 = arith.addi %parallel_loop3A_178, %parallel_loop3A_83 : i32
      %parallel_loop3A_180 = arith.index_cast %parallel_loop3A_179 : i32 to index
      %parallel_loop3A_181 = tpu.vector_load %arg5[%parallel_loop3A_180] {strides = array<i32>} : memref<32800xf32, #tpu.memory_space<vmem>>, vector<16xf32>,
      %parallel_loop3A_182 = arith.addf %parallel_loop3A_172, %parallel_loop3A_181 : vector<16xf32>
      %parallel_loop3A_183 = arith.constant 20490 : i32
      %parallel_loop3A_184 = arith.addi %parallel_loop3A_183, %parallel_loop3A_83 : i32
      %parallel_loop3A_185 = arith.index_cast %parallel_loop3A_184 : i32 to index
      %parallel_loop3A_186 = tpu.vector_load %arg6[%parallel_loop3A_185] {strides = array<i32>} : memref<32800xf32, #tpu.memory_space<vmem>>, vector<16xf32>,
      %parallel_loop3A_187 = arith.addf %parallel_loop3A_177, %parallel_loop3A_186 : vector<16xf32>
      %parallel_loop3A_188 = arith.constant 22539 : i32
      %parallel_loop3A_189 = arith.addi %parallel_loop3A_188, %parallel_loop3A_83 : i32
      %parallel_loop3A_190 = arith.index_cast %parallel_loop3A_189 : i32 to index
      %parallel_loop3A_191 = tpu.vector_load %arg5[%parallel_loop3A_190] {strides = array<i32>} : memref<32800xf32, #tpu.memory_space<vmem>>, vector<16xf32>,
      %parallel_loop3A_192 = arith.addf %parallel_loop3A_182, %parallel_loop3A_191 : vector<16xf32>
      %parallel_loop3A_193 = arith.constant 22539 : i32
      %parallel_loop3A_194 = arith.addi %parallel_loop3A_193, %parallel_loop3A_83 : i32
      %parallel_loop3A_195 = arith.index_cast %parallel_loop3A_194 : i32 to index
      %parallel_loop3A_196 = tpu.vector_load %arg6[%parallel_loop3A_195] {strides = array<i32>} : memref<32800xf32, #tpu.memory_space<vmem>>, vector<16xf32>,
      %parallel_loop3A_197 = arith.addf %parallel_loop3A_187, %parallel_loop3A_196 : vector<16xf32>
      %parallel_loop3A_198 = arith.constant 24588 : i32
      %parallel_loop3A_199 = arith.addi %parallel_loop3A_198, %parallel_loop3A_83 : i32
      %parallel_loop3A_200 = arith.index_cast %parallel_loop3A_199 : i32 to index
      %parallel_loop3A_201 = tpu.vector_load %arg5[%parallel_loop3A_200] {strides = array<i32>} : memref<32800xf32, #tpu.memory_space<vmem>>, vector<16xf32>,
      %parallel_loop3A_202 = arith.addf %parallel_loop3A_192, %parallel_loop3A_201 : vector<16xf32>
      %parallel_loop3A_203 = arith.constant 24588 : i32
      %parallel_loop3A_204 = arith.addi %parallel_loop3A_203, %parallel_loop3A_83 : i32
      %parallel_loop3A_205 = arith.index_cast %parallel_loop3A_204 : i32 to index
      %parallel_loop3A_206 = tpu.vector_load %arg6[%parallel_loop3A_205] {strides = array<i32>} : memref<32800xf32, #tpu.memory_space<vmem>>, vector<16xf32>,
      %parallel_loop3A_207 = arith.addf %parallel_loop3A_197, %parallel_loop3A_206 : vector<16xf32>
      %parallel_loop3A_208 = arith.constant 26637 : i32
      %parallel_loop3A_209 = arith.addi %parallel_loop3A_208, %parallel_loop3A_83 : i32
      %parallel_loop3A_210 = arith.index_cast %parallel_loop3A_209 : i32 to index
      %parallel_loop3A_211 = tpu.vector_load %arg5[%parallel_loop3A_210] {strides = array<i32>} : memref<32800xf32, #tpu.memory_space<vmem>>, vector<16xf32>,
      %parallel_loop3A_212 = arith.addf %parallel_loop3A_202, %parallel_loop3A_211 : vector<16xf32>
      %parallel_loop3A_213 = arith.constant 26637 : i32
      %parallel_loop3A_214 = arith.addi %parallel_loop3A_213, %parallel_loop3A_83 : i32
      %parallel_loop3A_215 = arith.index_cast %parallel_loop3A_214 : i32 to index
      %parallel_loop3A_216 = tpu.vector_load %arg6[%parallel_loop3A_215] {strides = array<i32>} : memref<32800xf32, #tpu.memory_space<vmem>>, vector<16xf32>,
      %parallel_loop3A_217 = arith.addf %parallel_loop3A_207, %parallel_loop3A_216 : vector<16xf32>
      %parallel_loop3A_218 = arith.constant 28686 : i32
      %parallel_loop3A_219 = arith.addi %parallel_loop3A_218, %parallel_loop3A_83 : i32
      %parallel_loop3A_220 = arith.index_cast %parallel_loop3A_219 : i32 to index
      %parallel_loop3A_221 = tpu.vector_load %arg5[%parallel_loop3A_220] {strides = array<i32>} : memref<32800xf32, #tpu.memory_space<vmem>>, vector<16xf32>,
      %parallel_loop3A_222 = arith.addf %parallel_loop3A_212, %parallel_loop3A_221 : vector<16xf32>
      %parallel_loop3A_223 = arith.constant 28686 : i32
      %parallel_loop3A_224 = arith.addi %parallel_loop3A_223, %parallel_loop3A_83 : i32
      %parallel_loop3A_225 = arith.index_cast %parallel_loop3A_224 : i32 to index
      %parallel_loop3A_226 = tpu.vector_load %arg6[%parallel_loop3A_225] {strides = array<i32>} : memref<32800xf32, #tpu.memory_space<vmem>>, vector<16xf32>,
      %parallel_loop3A_227 = arith.addf %parallel_loop3A_217, %parallel_loop3A_226 : vector<16xf32>
      %parallel_loop3A_228 = arith.constant 30735 : i32
      %parallel_loop3A_229 = arith.addi %parallel_loop3A_228, %parallel_loop3A_83 : i32
      %parallel_loop3A_230 = arith.index_cast %parallel_loop3A_229 : i32 to index
      %parallel_loop3A_231 = tpu.vector_load %arg5[%parallel_loop3A_230] {strides = array<i32>} : memref<32800xf32, #tpu.memory_space<vmem>>, vector<16xf32>,
      %parallel_loop3A_232 = arith.addf %parallel_loop3A_222, %parallel_loop3A_231 : vector<16xf32>
      %parallel_loop3A_233 = arith.constant 30735 : i32
      %parallel_loop3A_234 = arith.addi %parallel_loop3A_233, %parallel_loop3A_83 : i32
      %parallel_loop3A_235 = arith.index_cast %parallel_loop3A_234 : i32 to index
      %parallel_loop3A_236 = tpu.vector_load %arg6[%parallel_loop3A_235] {strides = array<i32>} : memref<32800xf32, #tpu.memory_space<vmem>>, vector<16xf32>,
      %parallel_loop3A_237 = arith.addf %parallel_loop3A_227, %parallel_loop3A_236 : vector<16xf32>
      %parallel_loop3A_238 = arith.index_cast %parallel_loop3A_83 : i32 to index
      %parallel_loop3A_239 = tpu.vector_load %arg9[%parallel_loop3A_238] {strides = array<i32>} : memref<4112xf32, #tpu.memory_space<vmem>>, vector<16xf32>,
      tpu.vector_store %arg9[%parallel_loop3A_238], %parallel_loop3A_232 {strides = array<i32>} : memref<4112xf32, #tpu.memory_space<vmem>>, vector<16xf32>,
      %parallel_loop3A_240 = arith.constant 2048 : i32
      %parallel_loop3A_241 = arith.addi %parallel_loop3A_240, %parallel_loop3A_83 : i32
      %parallel_loop3A_242 = arith.index_cast %parallel_loop3A_241 : i32 to index
      %parallel_loop3A_243 = tpu.vector_load %arg9[%parallel_loop3A_242] {strides = array<i32>} : memref<4112xf32, #tpu.memory_space<vmem>>, vector<16xf32>,
      tpu.vector_store %arg9[%parallel_loop3A_242], %parallel_loop3A_237 {strides = array<i32>} : memref<4112xf32, #tpu.memory_space<vmem>>, vector<16xf32>,
    } {sc.loop_unroll_factor = 2 : i64, sc.parallel_access}
    %reduce_sum3A = arith.constant true
    %reduce_sum3A_72 = vector.broadcast %reduce_sum3A : i1 to vector<16xi1>
    %reduce_sum3A_73 = tpu.scan <sum>, %scan3A_67 masked %reduce_sum3A_72 : vector<16xf32>, vector<16xi1> -> vector<16xf32>
    %reduce_sum3A_74 = vector.extract %reduce_sum3A_73[15] : f32 from vector<16xf32>
    %broadcast_in_dim3A_75 = vector.broadcast %reduce_sum3A_74 : f32 to vector<16xf32>
    %swap3A = arith.constant 4096 : index
    %swap3A_76 = tpu.vector_load %arg9[%swap3A] {strides = array<i32>} : memref<4112xf32, #tpu.memory_space<vmem>>, vector<16xf32>,
    tpu.vector_store %arg9[%swap3A], %broadcast_in_dim3A_75 {strides = array<i32>} : memref<4112xf32, #tpu.memory_space<vmem>>, vector<16xf32>,
    %mul3A_77 = arith.constant 4 : i32
    %mul3A_78 = arith.muli %add3A, %mul3A_77 : i32
    %add3A_79 = arith.addi %mul3A_78, %select_n3A_30 : i32
    "tpu.region"() ({
      %run_scoped3A = tpu.sem_alloc : memref<!tpu.dma_semaphore, #tpu.memory_space<semaphore_mem>>
      %dma_start3A_80 = arith.constant 0 : i32
      %dma_start3A_81 = tpu.memref_slice %arg4[%add3A_79, %dma_start3A_80] : memref<32x4112xf32, #tpu.memory_space<hbm>> -> memref<1x4112xf32, #tpu.memory_space<hbm>>
      %dma_start3A_82 = tpu.memref_squeeze %dma_start3A_81 : memref<1x4112xf32, #tpu.memory_space<hbm>> -> memref<4112xf32, #tpu.memory_space<hbm>>
      %dma_start3A_83 = arith.constant 0 : i32
      %dma_start3A_84 = tpu.memref_slice %arg4[%add3A_79, %dma_start3A_83] : memref<32x4112xf32, #tpu.memory_space<hbm>> -> memref<1x4112xf32, #tpu.memory_space<hbm>>
      %dma_start3A_85 = tpu.memref_squeeze %dma_start3A_84 : memref<1x4112xf32, #tpu.memory_space<hbm>> -> memref<4112xf32, #tpu.memory_space<hbm>>
      tpu.enqueue_dma source(%arg9 : memref<4112xf32, #tpu.memory_space<vmem>>) target(%dma_start3A_85 : memref<4112xf32, #tpu.memory_space<hbm>>) target_semaphore(%run_scoped3A : memref<!tpu.dma_semaphore, #tpu.memory_space<semaphore_mem>>)
      %dma_wait3A = arith.constant 0 : i32
      %dma_wait3A_86 = tpu.memref_slice %arg4[%add3A_79, %dma_wait3A] : memref<32x4112xf32, #tpu.memory_space<hbm>> -> memref<1x4112xf32, #tpu.memory_space<hbm>>
      %dma_wait3A_87 = tpu.memref_squeeze %dma_wait3A_86 : memref<1x4112xf32, #tpu.memory_space<hbm>> -> memref<4112xf32, #tpu.memory_space<hbm>>
      %dma_wait3A_88 = arith.constant 0 : i32
      %dma_wait3A_89 = tpu.memref_slice %arg4[%add3A_79, %dma_wait3A_88] : memref<32x4112xf32, #tpu.memory_space<hbm>> -> memref<1x4112xf32, #tpu.memory_space<hbm>>
      %dma_wait3A_90 = tpu.memref_squeeze %dma_wait3A_89 : memref<1x4112xf32, #tpu.memory_space<hbm>> -> memref<4112xf32, #tpu.memory_space<hbm>>
      tpu.wait_dma2 semaphore(%run_scoped3A : memref<!tpu.dma_semaphore, #tpu.memory_space<semaphore_mem>>) src(%arg9 : memref<4112xf32, #tpu.memory_space<vmem>>) dst(%dma_wait3A_90 : memref<4112xf32, #tpu.memory_space<hbm>>)
      tpu.yield
    }) : () -> ()
    return
  }
}

module attributes {stable_mosaic.version = 14 : i64} {
  func.func @_finalize_body(%arg0: memref<32x4112xf32, #tpu.memory_space<vmem>>, %arg1: memref<8x1xf32, #tpu.memory_space<vmem>>) attributes {dimension_semantics = [], scalar_prefetch = 0 : i64, scratch_operands = 0 : i64, tpu.core_type = #tpu.core_type<tc>} {
    %get3A = arith.constant 0 : index
    %get3A_0 = arith.constant 0 : index
    %get3A_1 = vector.load %arg0[%get3A, %get3A_0] : memref<32x4112xf32, #tpu.memory_space<vmem>>, vector<32x4112xf32>
    %reshape3A = vector.shape_cast %get3A_1 : vector<32x4112xf32> to vector<8x4x4112xf32>
    %reduce_sum3A = arith.constant dense<0.000000e+00> : vector<8x4112xf32>
    %reduce_sum3A_2 = vector.multi_reduction <add>, %reshape3A, %reduce_sum3A [1] : vector<8x4x4112xf32> to vector<8x4112xf32>
    %slice3A = vector.extract_strided_slice %reduce_sum3A_2 {offsets = [0, 0], sizes = [8, 1024], strides = [1, 1]} : vector<8x4112xf32> to vector<8x1024xf32>
    %slice3A_3 = vector.extract_strided_slice %reduce_sum3A_2 {offsets = [0, 1024], sizes = [8, 1024], strides = [1, 1]} : vector<8x4112xf32> to vector<8x1024xf32>
    %slice3A_4 = vector.extract_strided_slice %reduce_sum3A_2 {offsets = [0, 2048], sizes = [8, 1024], strides = [1, 1]} : vector<8x4112xf32> to vector<8x1024xf32>
    %slice3A_5 = vector.extract_strided_slice %reduce_sum3A_2 {offsets = [0, 3072], sizes = [8, 1024], strides = [1, 1]} : vector<8x4112xf32> to vector<8x1024xf32>
    %slice3A_6 = vector.extract_strided_slice %reduce_sum3A_2 {offsets = [0, 4096], sizes = [8, 1], strides = [1, 1]} : vector<8x4112xf32> to vector<8x1xf32>
    %roll3A = arith.constant 1 : i32
    %roll3A_7 = tpu.dynamic_rotate %slice3A by %roll3A dim 1 : vector<8x1024xf32>, i32 -> vector<8x1024xf32>
    %iota3A = tpu.iota {dimensions = array<i32: 1>} : vector<8x1024xi32>
    %ge3A = arith.constant 1 : i32
    %ge3A_8 = vector.broadcast %ge3A : i32 to vector<8x1024xi32>
    %ge3A_9 = arith.cmpi sge, %iota3A, %ge3A_8 : vector<8x1024xi32>
    %jit3A = arith.constant 0.000000e+00 : f32
    %broadcast_in_dim3A = vector.broadcast %jit3A : f32 to vector<8x1024xf32>
    %select_n3A = arith.select %ge3A_9, %roll3A_7, %broadcast_in_dim3A : vector<8x1024xi1>, vector<8x1024xf32>
    %add3A = arith.addf %slice3A, %select_n3A : vector<8x1024xf32>
    %roll3A_10 = arith.constant 2 : i32
    %roll3A_11 = tpu.dynamic_rotate %add3A by %roll3A_10 dim 1 : vector<8x1024xf32>, i32 -> vector<8x1024xf32>
    %iota3A_12 = tpu.iota {dimensions = array<i32: 1>} : vector<8x1024xi32>
    %ge3A_13 = arith.constant 2 : i32
    %ge3A_14 = vector.broadcast %ge3A_13 : i32 to vector<8x1024xi32>
    %ge3A_15 = arith.cmpi sge, %iota3A_12, %ge3A_14 : vector<8x1024xi32>
    %jit3A_16 = arith.constant 0.000000e+00 : f32
    %broadcast_in_dim3A_17 = vector.broadcast %jit3A_16 : f32 to vector<8x1024xf32>
    %select_n3A_18 = arith.select %ge3A_15, %roll3A_11, %broadcast_in_dim3A_17 : vector<8x1024xi1>, vector<8x1024xf32>
    %add3A_19 = arith.addf %add3A, %select_n3A_18 : vector<8x1024xf32>
    %roll3A_20 = arith.constant 4 : i32
    %roll3A_21 = tpu.dynamic_rotate %add3A_19 by %roll3A_20 dim 1 : vector<8x1024xf32>, i32 -> vector<8x1024xf32>
    %iota3A_22 = tpu.iota {dimensions = array<i32: 1>} : vector<8x1024xi32>
    %ge3A_23 = arith.constant 4 : i32
    %ge3A_24 = vector.broadcast %ge3A_23 : i32 to vector<8x1024xi32>
    %ge3A_25 = arith.cmpi sge, %iota3A_22, %ge3A_24 : vector<8x1024xi32>
    %jit3A_26 = arith.constant 0.000000e+00 : f32
    %broadcast_in_dim3A_27 = vector.broadcast %jit3A_26 : f32 to vector<8x1024xf32>
    %select_n3A_28 = arith.select %ge3A_25, %roll3A_21, %broadcast_in_dim3A_27 : vector<8x1024xi1>, vector<8x1024xf32>
    %add3A_29 = arith.addf %add3A_19, %select_n3A_28 : vector<8x1024xf32>
    %roll3A_30 = arith.constant 8 : i32
    %roll3A_31 = tpu.dynamic_rotate %add3A_29 by %roll3A_30 dim 1 : vector<8x1024xf32>, i32 -> vector<8x1024xf32>
    %iota3A_32 = tpu.iota {dimensions = array<i32: 1>} : vector<8x1024xi32>
    %ge3A_33 = arith.constant 8 : i32
    %ge3A_34 = vector.broadcast %ge3A_33 : i32 to vector<8x1024xi32>
    %ge3A_35 = arith.cmpi sge, %iota3A_32, %ge3A_34 : vector<8x1024xi32>
    %jit3A_36 = arith.constant 0.000000e+00 : f32
    %broadcast_in_dim3A_37 = vector.broadcast %jit3A_36 : f32 to vector<8x1024xf32>
    %select_n3A_38 = arith.select %ge3A_35, %roll3A_31, %broadcast_in_dim3A_37 : vector<8x1024xi1>, vector<8x1024xf32>
    %add3A_39 = arith.addf %add3A_29, %select_n3A_38 : vector<8x1024xf32>
    %roll3A_40 = arith.constant 16 : i32
    %roll3A_41 = tpu.dynamic_rotate %add3A_39 by %roll3A_40 dim 1 : vector<8x1024xf32>, i32 -> vector<8x1024xf32>
    %iota3A_42 = tpu.iota {dimensions = array<i32: 1>} : vector<8x1024xi32>
    %ge3A_43 = arith.constant 16 : i32
    %ge3A_44 = vector.broadcast %ge3A_43 : i32 to vector<8x1024xi32>
    %ge3A_45 = arith.cmpi sge, %iota3A_42, %ge3A_44 : vector<8x1024xi32>
    %jit3A_46 = arith.constant 0.000000e+00 : f32
    %broadcast_in_dim3A_47 = vector.broadcast %jit3A_46 : f32 to vector<8x1024xf32>
    %select_n3A_48 = arith.select %ge3A_45, %roll3A_41, %broadcast_in_dim3A_47 : vector<8x1024xi1>, vector<8x1024xf32>
    %add3A_49 = arith.addf %add3A_39, %select_n3A_48 : vector<8x1024xf32>
    %roll3A_50 = arith.constant 32 : i32
    %roll3A_51 = tpu.dynamic_rotate %add3A_49 by %roll3A_50 dim 1 : vector<8x1024xf32>, i32 -> vector<8x1024xf32>
    %iota3A_52 = tpu.iota {dimensions = array<i32: 1>} : vector<8x1024xi32>
    %ge3A_53 = arith.constant 32 : i32
    %ge3A_54 = vector.broadcast %ge3A_53 : i32 to vector<8x1024xi32>
    %ge3A_55 = arith.cmpi sge, %iota3A_52, %ge3A_54 : vector<8x1024xi32>
    %jit3A_56 = arith.constant 0.000000e+00 : f32
    %broadcast_in_dim3A_57 = vector.broadcast %jit3A_56 : f32 to vector<8x1024xf32>
    %select_n3A_58 = arith.select %ge3A_55, %roll3A_51, %broadcast_in_dim3A_57 : vector<8x1024xi1>, vector<8x1024xf32>
    %add3A_59 = arith.addf %add3A_49, %select_n3A_58 : vector<8x1024xf32>
    %roll3A_60 = arith.constant 64 : i32
    %roll3A_61 = tpu.dynamic_rotate %add3A_59 by %roll3A_60 dim 1 : vector<8x1024xf32>, i32 -> vector<8x1024xf32>
    %iota3A_62 = tpu.iota {dimensions = array<i32: 1>} : vector<8x1024xi32>
    %ge3A_63 = arith.constant 64 : i32
    %ge3A_64 = vector.broadcast %ge3A_63 : i32 to vector<8x1024xi32>
    %ge3A_65 = arith.cmpi sge, %iota3A_62, %ge3A_64 : vector<8x1024xi32>
    %jit3A_66 = arith.constant 0.000000e+00 : f32
    %broadcast_in_dim3A_67 = vector.broadcast %jit3A_66 : f32 to vector<8x1024xf32>
    %select_n3A_68 = arith.select %ge3A_65, %roll3A_61, %broadcast_in_dim3A_67 : vector<8x1024xi1>, vector<8x1024xf32>
    %add3A_69 = arith.addf %add3A_59, %select_n3A_68 : vector<8x1024xf32>
    %roll3A_70 = arith.constant 128 : i32
    %roll3A_71 = tpu.dynamic_rotate %add3A_69 by %roll3A_70 dim 1 : vector<8x1024xf32>, i32 -> vector<8x1024xf32>
    %iota3A_72 = tpu.iota {dimensions = array<i32: 1>} : vector<8x1024xi32>
    %ge3A_73 = arith.constant 128 : i32
    %ge3A_74 = vector.broadcast %ge3A_73 : i32 to vector<8x1024xi32>
    %ge3A_75 = arith.cmpi sge, %iota3A_72, %ge3A_74 : vector<8x1024xi32>
    %jit3A_76 = arith.constant 0.000000e+00 : f32
    %broadcast_in_dim3A_77 = vector.broadcast %jit3A_76 : f32 to vector<8x1024xf32>
    %select_n3A_78 = arith.select %ge3A_75, %roll3A_71, %broadcast_in_dim3A_77 : vector<8x1024xi1>, vector<8x1024xf32>
    %add3A_79 = arith.addf %add3A_69, %select_n3A_78 : vector<8x1024xf32>
    %roll3A_80 = arith.constant 256 : i32
    %roll3A_81 = tpu.dynamic_rotate %add3A_79 by %roll3A_80 dim 1 : vector<8x1024xf32>, i32 -> vector<8x1024xf32>
    %iota3A_82 = tpu.iota {dimensions = array<i32: 1>} : vector<8x1024xi32>
    %ge3A_83 = arith.constant 256 : i32
    %ge3A_84 = vector.broadcast %ge3A_83 : i32 to vector<8x1024xi32>
    %ge3A_85 = arith.cmpi sge, %iota3A_82, %ge3A_84 : vector<8x1024xi32>
    %jit3A_86 = arith.constant 0.000000e+00 : f32
    %broadcast_in_dim3A_87 = vector.broadcast %jit3A_86 : f32 to vector<8x1024xf32>
    %select_n3A_88 = arith.select %ge3A_85, %roll3A_81, %broadcast_in_dim3A_87 : vector<8x1024xi1>, vector<8x1024xf32>
    %add3A_89 = arith.addf %add3A_79, %select_n3A_88 : vector<8x1024xf32>
    %roll3A_90 = arith.constant 512 : i32
    %roll3A_91 = tpu.dynamic_rotate %add3A_89 by %roll3A_90 dim 1 : vector<8x1024xf32>, i32 -> vector<8x1024xf32>
    %iota3A_92 = tpu.iota {dimensions = array<i32: 1>} : vector<8x1024xi32>
    %ge3A_93 = arith.constant 512 : i32
    %ge3A_94 = vector.broadcast %ge3A_93 : i32 to vector<8x1024xi32>
    %ge3A_95 = arith.cmpi sge, %iota3A_92, %ge3A_94 : vector<8x1024xi32>
    %jit3A_96 = arith.constant 0.000000e+00 : f32
    %broadcast_in_dim3A_97 = vector.broadcast %jit3A_96 : f32 to vector<8x1024xf32>
    %select_n3A_98 = arith.select %ge3A_95, %roll3A_91, %broadcast_in_dim3A_97 : vector<8x1024xi1>, vector<8x1024xf32>
    %add3A_99 = arith.addf %add3A_89, %select_n3A_98 : vector<8x1024xf32>
    %roll3A_100 = arith.constant 1 : i32
    %roll3A_101 = tpu.dynamic_rotate %slice3A_3 by %roll3A_100 dim 1 : vector<8x1024xf32>, i32 -> vector<8x1024xf32>
    %iota3A_102 = tpu.iota {dimensions = array<i32: 1>} : vector<8x1024xi32>
    %ge3A_103 = arith.constant 1 : i32
    %ge3A_104 = vector.broadcast %ge3A_103 : i32 to vector<8x1024xi32>
    %ge3A_105 = arith.cmpi sge, %iota3A_102, %ge3A_104 : vector<8x1024xi32>
    %jit3A_106 = arith.constant 0.000000e+00 : f32
    %broadcast_in_dim3A_107 = vector.broadcast %jit3A_106 : f32 to vector<8x1024xf32>
    %select_n3A_108 = arith.select %ge3A_105, %roll3A_101, %broadcast_in_dim3A_107 : vector<8x1024xi1>, vector<8x1024xf32>
    %add3A_109 = arith.addf %slice3A_3, %select_n3A_108 : vector<8x1024xf32>
    %roll3A_110 = arith.constant 2 : i32
    %roll3A_111 = tpu.dynamic_rotate %add3A_109 by %roll3A_110 dim 1 : vector<8x1024xf32>, i32 -> vector<8x1024xf32>
    %iota3A_112 = tpu.iota {dimensions = array<i32: 1>} : vector<8x1024xi32>
    %ge3A_113 = arith.constant 2 : i32
    %ge3A_114 = vector.broadcast %ge3A_113 : i32 to vector<8x1024xi32>
    %ge3A_115 = arith.cmpi sge, %iota3A_112, %ge3A_114 : vector<8x1024xi32>
    %jit3A_116 = arith.constant 0.000000e+00 : f32
    %broadcast_in_dim3A_117 = vector.broadcast %jit3A_116 : f32 to vector<8x1024xf32>
    %select_n3A_118 = arith.select %ge3A_115, %roll3A_111, %broadcast_in_dim3A_117 : vector<8x1024xi1>, vector<8x1024xf32>
    %add3A_119 = arith.addf %add3A_109, %select_n3A_118 : vector<8x1024xf32>
    %roll3A_120 = arith.constant 4 : i32
    %roll3A_121 = tpu.dynamic_rotate %add3A_119 by %roll3A_120 dim 1 : vector<8x1024xf32>, i32 -> vector<8x1024xf32>
    %iota3A_122 = tpu.iota {dimensions = array<i32: 1>} : vector<8x1024xi32>
    %ge3A_123 = arith.constant 4 : i32
    %ge3A_124 = vector.broadcast %ge3A_123 : i32 to vector<8x1024xi32>
    %ge3A_125 = arith.cmpi sge, %iota3A_122, %ge3A_124 : vector<8x1024xi32>
    %jit3A_126 = arith.constant 0.000000e+00 : f32
    %broadcast_in_dim3A_127 = vector.broadcast %jit3A_126 : f32 to vector<8x1024xf32>
    %select_n3A_128 = arith.select %ge3A_125, %roll3A_121, %broadcast_in_dim3A_127 : vector<8x1024xi1>, vector<8x1024xf32>
    %add3A_129 = arith.addf %add3A_119, %select_n3A_128 : vector<8x1024xf32>
    %roll3A_130 = arith.constant 8 : i32
    %roll3A_131 = tpu.dynamic_rotate %add3A_129 by %roll3A_130 dim 1 : vector<8x1024xf32>, i32 -> vector<8x1024xf32>
    %iota3A_132 = tpu.iota {dimensions = array<i32: 1>} : vector<8x1024xi32>
    %ge3A_133 = arith.constant 8 : i32
    %ge3A_134 = vector.broadcast %ge3A_133 : i32 to vector<8x1024xi32>
    %ge3A_135 = arith.cmpi sge, %iota3A_132, %ge3A_134 : vector<8x1024xi32>
    %jit3A_136 = arith.constant 0.000000e+00 : f32
    %broadcast_in_dim3A_137 = vector.broadcast %jit3A_136 : f32 to vector<8x1024xf32>
    %select_n3A_138 = arith.select %ge3A_135, %roll3A_131, %broadcast_in_dim3A_137 : vector<8x1024xi1>, vector<8x1024xf32>
    %add3A_139 = arith.addf %add3A_129, %select_n3A_138 : vector<8x1024xf32>
    %roll3A_140 = arith.constant 16 : i32
    %roll3A_141 = tpu.dynamic_rotate %add3A_139 by %roll3A_140 dim 1 : vector<8x1024xf32>, i32 -> vector<8x1024xf32>
    %iota3A_142 = tpu.iota {dimensions = array<i32: 1>} : vector<8x1024xi32>
    %ge3A_143 = arith.constant 16 : i32
    %ge3A_144 = vector.broadcast %ge3A_143 : i32 to vector<8x1024xi32>
    %ge3A_145 = arith.cmpi sge, %iota3A_142, %ge3A_144 : vector<8x1024xi32>
    %jit3A_146 = arith.constant 0.000000e+00 : f32
    %broadcast_in_dim3A_147 = vector.broadcast %jit3A_146 : f32 to vector<8x1024xf32>
    %select_n3A_148 = arith.select %ge3A_145, %roll3A_141, %broadcast_in_dim3A_147 : vector<8x1024xi1>, vector<8x1024xf32>
    %add3A_149 = arith.addf %add3A_139, %select_n3A_148 : vector<8x1024xf32>
    %roll3A_150 = arith.constant 32 : i32
    %roll3A_151 = tpu.dynamic_rotate %add3A_149 by %roll3A_150 dim 1 : vector<8x1024xf32>, i32 -> vector<8x1024xf32>
    %iota3A_152 = tpu.iota {dimensions = array<i32: 1>} : vector<8x1024xi32>
    %ge3A_153 = arith.constant 32 : i32
    %ge3A_154 = vector.broadcast %ge3A_153 : i32 to vector<8x1024xi32>
    %ge3A_155 = arith.cmpi sge, %iota3A_152, %ge3A_154 : vector<8x1024xi32>
    %jit3A_156 = arith.constant 0.000000e+00 : f32
    %broadcast_in_dim3A_157 = vector.broadcast %jit3A_156 : f32 to vector<8x1024xf32>
    %select_n3A_158 = arith.select %ge3A_155, %roll3A_151, %broadcast_in_dim3A_157 : vector<8x1024xi1>, vector<8x1024xf32>
    %add3A_159 = arith.addf %add3A_149, %select_n3A_158 : vector<8x1024xf32>
    %roll3A_160 = arith.constant 64 : i32
    %roll3A_161 = tpu.dynamic_rotate %add3A_159 by %roll3A_160 dim 1 : vector<8x1024xf32>, i32 -> vector<8x1024xf32>
    %iota3A_162 = tpu.iota {dimensions = array<i32: 1>} : vector<8x1024xi32>
    %ge3A_163 = arith.constant 64 : i32
    %ge3A_164 = vector.broadcast %ge3A_163 : i32 to vector<8x1024xi32>
    %ge3A_165 = arith.cmpi sge, %iota3A_162, %ge3A_164 : vector<8x1024xi32>
    %jit3A_166 = arith.constant 0.000000e+00 : f32
    %broadcast_in_dim3A_167 = vector.broadcast %jit3A_166 : f32 to vector<8x1024xf32>
    %select_n3A_168 = arith.select %ge3A_165, %roll3A_161, %broadcast_in_dim3A_167 : vector<8x1024xi1>, vector<8x1024xf32>
    %add3A_169 = arith.addf %add3A_159, %select_n3A_168 : vector<8x1024xf32>
    %roll3A_170 = arith.constant 128 : i32
    %roll3A_171 = tpu.dynamic_rotate %add3A_169 by %roll3A_170 dim 1 : vector<8x1024xf32>, i32 -> vector<8x1024xf32>
    %iota3A_172 = tpu.iota {dimensions = array<i32: 1>} : vector<8x1024xi32>
    %ge3A_173 = arith.constant 128 : i32
    %ge3A_174 = vector.broadcast %ge3A_173 : i32 to vector<8x1024xi32>
    %ge3A_175 = arith.cmpi sge, %iota3A_172, %ge3A_174 : vector<8x1024xi32>
    %jit3A_176 = arith.constant 0.000000e+00 : f32
    %broadcast_in_dim3A_177 = vector.broadcast %jit3A_176 : f32 to vector<8x1024xf32>
    %select_n3A_178 = arith.select %ge3A_175, %roll3A_171, %broadcast_in_dim3A_177 : vector<8x1024xi1>, vector<8x1024xf32>
    %add3A_179 = arith.addf %add3A_169, %select_n3A_178 : vector<8x1024xf32>
    %roll3A_180 = arith.constant 256 : i32
    %roll3A_181 = tpu.dynamic_rotate %add3A_179 by %roll3A_180 dim 1 : vector<8x1024xf32>, i32 -> vector<8x1024xf32>
    %iota3A_182 = tpu.iota {dimensions = array<i32: 1>} : vector<8x1024xi32>
    %ge3A_183 = arith.constant 256 : i32
    %ge3A_184 = vector.broadcast %ge3A_183 : i32 to vector<8x1024xi32>
    %ge3A_185 = arith.cmpi sge, %iota3A_182, %ge3A_184 : vector<8x1024xi32>
    %jit3A_186 = arith.constant 0.000000e+00 : f32
    %broadcast_in_dim3A_187 = vector.broadcast %jit3A_186 : f32 to vector<8x1024xf32>
    %select_n3A_188 = arith.select %ge3A_185, %roll3A_181, %broadcast_in_dim3A_187 : vector<8x1024xi1>, vector<8x1024xf32>
    %add3A_189 = arith.addf %add3A_179, %select_n3A_188 : vector<8x1024xf32>
    %roll3A_190 = arith.constant 512 : i32
    %roll3A_191 = tpu.dynamic_rotate %add3A_189 by %roll3A_190 dim 1 : vector<8x1024xf32>, i32 -> vector<8x1024xf32>
    %iota3A_192 = tpu.iota {dimensions = array<i32: 1>} : vector<8x1024xi32>
    %ge3A_193 = arith.constant 512 : i32
    %ge3A_194 = vector.broadcast %ge3A_193 : i32 to vector<8x1024xi32>
    %ge3A_195 = arith.cmpi sge, %iota3A_192, %ge3A_194 : vector<8x1024xi32>
    %jit3A_196 = arith.constant 0.000000e+00 : f32
    %broadcast_in_dim3A_197 = vector.broadcast %jit3A_196 : f32 to vector<8x1024xf32>
    %select_n3A_198 = arith.select %ge3A_195, %roll3A_191, %broadcast_in_dim3A_197 : vector<8x1024xi1>, vector<8x1024xf32>
    %add3A_199 = arith.addf %add3A_189, %select_n3A_198 : vector<8x1024xf32>
    %slice3A_200 = vector.extract_strided_slice %add3A_99 {offsets = [0, 1023], sizes = [8, 1], strides = [1, 1]} : vector<8x1024xf32> to vector<8x1xf32>
    %slice3A_201 = vector.extract_strided_slice %add3A_199 {offsets = [0, 1023], sizes = [8, 1], strides = [1, 1]} : vector<8x1024xf32> to vector<8x1xf32>
    %sub3A = vector.broadcast %slice3A_200 : vector<8x1xf32> to vector<8x1024xf32>
    %sub3A_202 = arith.subf %sub3A, %add3A_99 : vector<8x1024xf32>
    %sub3A_203 = vector.broadcast %slice3A_201 : vector<8x1xf32> to vector<8x1024xf32>
    %sub3A_204 = arith.subf %sub3A_203, %add3A_199 : vector<8x1024xf32>
    %add3A_205 = vector.broadcast %slice3A_6 : vector<8x1xf32> to vector<8x1024xf32>
    %add3A_206 = arith.addf %add3A_205, %sub3A_202 : vector<8x1024xf32>
    %div3A = arith.divf %slice3A_5, %add3A_206 : vector<8x1024xf32>
    %sub3A_207 = vector.broadcast %slice3A_6 : vector<8x1xf32> to vector<8x1024xf32>
    %sub3A_208 = arith.subf %sub3A_207, %sub3A_204 : vector<8x1024xf32>
    %sub3A_209 = arith.subf %sub3A_208, %slice3A_3 : vector<8x1024xf32>
    %mul3A = arith.mulf %slice3A_4, %sub3A_209 : vector<8x1024xf32>
    %add3A_210 = arith.addf %add3A_206, %slice3A : vector<8x1024xf32>
    %mul3A_211 = arith.mulf %add3A_206, %add3A_210 : vector<8x1024xf32>
    %div3A_212 = arith.divf %mul3A, %mul3A_211 : vector<8x1024xf32>
    %add3A_213 = arith.addf %div3A, %div3A_212 : vector<8x1024xf32>
    %reduce_sum3A_214 = arith.constant dense<0.000000e+00> : vector<8xf32>
    %reduce_sum3A_215 = vector.multi_reduction <add>, %add3A_213, %reduce_sum3A_214 [1] : vector<8x1024xf32> to vector<8xf32>
    %broadcast_in_dim3A_216 = vector.shape_cast %reduce_sum3A_215 : vector<8xf32> to vector<8x1xf32>
    %mul3A_217 = arith.constant 1.250000e-01 : f32
    %mul3A_218 = vector.broadcast %mul3A_217 : f32 to vector<8x1xf32>
    %mul3A_219 = arith.mulf %broadcast_in_dim3A_216, %mul3A_218 : vector<8x1xf32>
    %swap3A = arith.constant 0 : index
    %swap3A_220 = arith.constant 0 : index
    %swap3A_221 = vector.load %arg1[%swap3A, %swap3A_220] : memref<8x1xf32, #tpu.memory_space<vmem>>, vector<8x1xf32>
    tpu.vector_store %arg1[%swap3A, %swap3A_220], %mul3A_219 {strides = array<i32>} : memref<8x1xf32, #tpu.memory_space<vmem>>, vector<8x1xf32>,
    return
  }
}

</mosaic_0001>

<sc_bundles>
// kernel: kernel.4.cloned.1.call-start
scs
__scs_entry_jumppad:
0x0: {  	(pc) =	sbr.rel $0x88, $3  }
0x1: {  	(tag) =	ssettag $0x0;
	lr =	simm.s32 $0x1  }
0x2: {  	[smem:$0x3F9F] =	sst lr;
	_ =	strace $0xD0000000  }
0x3: {  	_ = 	snop  }
0x4: {  	_ = 	snop  }
0x5: {  	_ = 	snop  }
0x6: {  	_ = 	snop  }
0x7: {  	_ = 	snop  }
__scs_overlays_trampoline_lowered:
0x8: {  	[smem:$0x3FAE] =	sst s0  }
0x9: {  	[smem:$0x3FAF] =	sst s1  }
0xa: {  	[smem:$0x3FB0] =	sst s2  }
0xb: {  	[smem:$0x3FB1] =	sst s3  }
0xc: {  	[smem:$0x3FB2] =	sst s4  }
0xd: {  	[smem:$0x3FB3] =	sst s5  }
0xe: {  	[smem:$0x3FB4] =	sst s6  }
0xf: {  	[smem:$0x3FB5] =	sst s7  }
0x10: {  	[smem:$0x3FB6] =	sst s8  }
0x11: {  	[smem:$0x3FB7] =	sst s9;
	s0 =	simm.s32 @!p0 $0x0  }
0x12: {  	s1 =	sld [smem:$0x3F9D];
	s0 =	simm.s32 @p0 $0x1  }
0x13: {  	[smem:$0x3FB8] =	sst s0;
	s0 =	simm.s32 @!p1 $0x0  }
0x14: {  	s2 =	sld [smem:$0x3F9C];
	s0 =	simm.s32 @p1 $0x1  }
0x15: {  	[smem:$0x3FB9] =	sst s0;
	s0 =	simm.s32 @!p2 $0x0  }
0x16: {  	s3 =	sld [smem:$0x3FDB];
	s0 =	simm.s32 @p2 $0x1  }
0x17: {  	s4 =	simm.s32 $0x1BF5;
	[smem:$0x3FBB] =	sst s0  }
0x18: {  	s0 =	sld [smem:$0x3F9E];
	_ =	swait.ge [sflag:s4], $0x0  }
0x19: {  	s7 =	sld [smem:$0x3F9F]  }
0x1a: {  	s8 =	sadd.s32 $0xFFFFE003, lr  }
0x1b: {  	s9 =	sadd.s32 $0xFFFFFEF7, lr;
	s5 =	simm.s32 $0xFFFFFFFF;
	p2 =	slt.u32 s8, $0xFFFFF086  }
0x1c: {  	p1 =	slt.u32 s9, $0xF7A;
	s5 =	simm.s32 @!p2 $0x0  }
0x1d: {  	s5 =	simm.s32 @p1 $0x1;
	p0 =	seq.s32 s7, s2  }
0x1e: {  	s7 =	smul.u32 @!p0 $0xF7A, s2;
	p2 =	seq.s32 @!p0 s5, $0x0  }
0x1f: {  	s9 =	smul.u32 $0xF7A, s1;
	s8 =	simm.s32 @!p0 $0x1BF5;
	p2 =	por !p2, p0  }
0x20: {  	[sflag:s8] =	ssyncset.s32 @!p0 $0xFFFFF086;
	s6 =	sadd.s32 @!p0 s3, s7;
	s7 =	simm.s32 @!p0 $0x108  }
0x21: {  	s3 =	sadd.s32 s3, s9;
	s6 =	sadd.s32 @!p0 $0x88, s6;
	s7 =	simm.s32 @p2 $0x1082  }
0x22: {  	[simem:s7], [sflag:s8] =	dma.local @!p0 [hbm:s6], $0xF7A  }
0x23: {  	s9 =	sor.u32 $0xD0000000, s2;
	s6 =	simm.s32 $0x108;
	_ =	swait.ge @!p0 [sflag:s8], $0x0  }
0x24: {  	s3 =	sadd.s32 $0x88, s3;
	s6 =	simm.s32 @!p1 $0x1082;
	[sflag:s4] =	ssyncset.s32 $0xFFFFF086  }
0x25: {  	[simem:s6], [sflag:s4] =	dma.local [hbm:s3], $0xF7A  }
0x26: {  	[smem:$0x3F9F] =	sst s1;
	(tag) =	ssettag s2;
	_ =	strace s9  }
0x27: {  	s1 =	sld [smem:$0x3FAF]  }
0x28: {  	s2 =	sld [smem:$0x3FB0]  }
0x29: {  	s4 =	sld [smem:$0x3FB2]  }
0x2a: {  	p0 =	seq.s32 s5, $0x0;
	s5 =	sld [smem:$0x3FB3]  }
0x2b: {  	s6 =	sld [smem:$0x3FB4]  }
0x2c: {  	s7 =	sld [smem:$0x3FB5]  }
0x2d: {  	s3 =	simm.s32 $0x108;
	s8 =	sld [smem:$0x3FB6]  }
0x2e: {  	s3 =	simm.s32 @!p0 $0x1082;
	s9 =	sld [smem:$0x3FB7]  }
0x2f: {  	lr =	sadd.s32 s0, s3;
	s0 =	sld [smem:$0x3FAE]  }
0x30: {  	s3 =	sld [smem:$0x3FB1]  }
0x31: {  	[smem:$0x3FBA] =	sst s10  }
0x32: {  	s10 =	sld [smem:$0x3FB8];
	_ =	sdelay $0x3  }
0x33: {  	p0 =	seq.s32 s10, $0x1;
	s10 =	sld [smem:$0x3FBA];
	_ =	sdelay $0x3  }
0x34: {  	[smem:$0x3FBA] =	sst s10  }
0x35: {  	s10 =	sld [smem:$0x3FB9];
	_ =	sdelay $0x3  }
0x36: {  	p1 =	seq.s32 s10, $0x1;
	s10 =	sld [smem:$0x3FBA];
	_ =	sdelay $0x3  }
0x37: {  	[smem:$0x3FBA] =	sst s10  }
0x38: {  	s10 =	sld [smem:$0x3FBB]  }
0x39: {  	_ = 	snop;
	(pc) =	sbr.ind lr, $3  }
0x3a: {  	_ = 	snop  }
0x3b: {  	_ = 	snop  }
0x3c: {  	p2 =	seq.s32 s10, $0x1;
	s10 =	sld [smem:$0x3FBA]  }
0x3d: {  	_ =	shalt  }
0x3e: {  	_ =	shalt  }
0x3f: {  	_ =	shalt  }
0x40: {  	_ =	shalt  }
0x41: {  	_ =	shalt  }
0x42: {  	_ =	shalt  }
0x43: {  	_ =	shalt  }
0x44: {  	_ =	shalt  }
0x45: {  	_ =	shalt  }
0x46: {  	_ =	shalt  }
0x47: {  	_ =	shalt  }
0x48: {  	_ =	shalt  }
0x49: {  	_ =	shalt  }
0x4a: {  	_ =	shalt  }
0x4b: {  	_ =	shalt  }
0x4c: {  	_ =	shalt  }
0x4d: {  	_ =	shalt  }
0x4e: {  	_ =	shalt  }
0x4f: {  	_ =	shalt  }
0x50: {  	_ =	shalt  }
0x51: {  	_ =	shalt  }
0x52: {  	_ =	shalt  }
0x53: {  	_ =	shalt  }
0x54: {  	_ =	shalt  }
0x55: {  	_ =	shalt  }
0x56: {  	_ =	shalt  }
0x57: {  	_ =	shalt  }
0x58: {  	_ =	shalt  }
0x59: {  	_ =	shalt  }
0x5a: {  	_ =	shalt  }
0x5b: {  	_ =	shalt  }
0x5c: {  	_ =	shalt  }
0x5d: {  	_ =	shalt  }
0x5e: {  	_ =	shalt  }
0x5f: {  	_ =	shalt  }
0x60: {  	_ =	shalt  }
0x61: {  	_ =	shalt  }
0x62: {  	_ =	shalt  }
0x63: {  	_ =	shalt  }
0x64: {  	_ =	shalt  }
0x65: {  	_ =	shalt  }
0x66: {  	_ =	shalt  }
0x67: {  	_ =	shalt  }
0x68: {  	_ =	shalt  }
0x69: {  	_ =	shalt  }
0x6a: {  	_ =	shalt  }
0x6b: {  	_ =	shalt  }
0x6c: {  	_ =	shalt  }
0x6d: {  	_ =	shalt  }
0x6e: {  	_ =	shalt  }
0x6f: {  	_ =	shalt  }
0x70: {  	_ =	shalt  }
0x71: {  	_ =	shalt  }
0x72: {  	_ =	shalt  }
0x73: {  	_ =	shalt  }
0x74: {  	_ =	shalt  }
0x75: {  	_ =	shalt  }
0x76: {  	_ =	shalt  }
0x77: {  	_ =	shalt  }
0x78: {  	_ =	shalt  }
0x79: {  	_ =	shalt  }
0x7a: {  	_ =	shalt  }
0x7b: {  	_ =	shalt  }
0x7c: {  	_ =	shalt  }
0x7d: {  	_ =	shalt  }
0x7e: {  	_ =	shalt  }
0x7f: {  	_ =	shalt  }
0x80: {  	_ =	shalt  }
0x81: {  	_ =	shalt  }
0x82: {  	_ =	shalt  }
0x83: {  	_ =	shalt  }
0x84: {  	_ =	shalt  }
0x85: {  	_ =	shalt  }
0x86: {  	_ =	shalt  }
0x87: {  	_ =	shalt  }
.Lfunc_end0:
.L_simem_size_0:
called_computation_lowered:
.L_overlay_start_0:
0x88: {  	s2 =	sld [smem:$0x3FD9]  }
0x89: {  	s3 =	sld [smem:$0x3FFE];
	_ =	sdelay $0x1  }
0x8a: {  	s1 =	srdreg.scid  }
0x8b: {  	s0 =	sand.u32 $0x1, s1  }
0x8c: {  	s16 =	sshll.u32 s0, $0xA;
	s2 =	sadd.s32 s3, s2  }
0x8d: {  	s2 =	sadd.s32 s2, s16  }
0x8e: {  	[smem:$0x3FC6] =	sst s2  }
0x8f: {  	_ = 	snop  }
0x90: {  	(tm) =	ssettm $0x1  }
0x91: {  	s17 =	sld [smem:$0x3FFB];
	_ =	sdelay $0x3  }
0x92: {  	_ =	strace s17  }
0x93: {  	s2 =	sld [smem:$0x3FFC];
	_ =	sdelay $0x3  }
0x94: {  	_ =	strace s2  }
0x95: {  	s2 =	sld [smem:$0x3FFD];
	_ =	sdelay $0x3  }
0x96: {  	_ =	strace s2  }
0x97: {  	_ =	strace $0x8FFFFFFF  }
0x98: {  	s18 =	sld [smem:$0x3FDB];
	_ =	sdelay $0x1  }
0x99: {  	s19 =	simm.s32 $_scs_section_size  }
0x9a: {  	s4 =	simm.s32 $_size__tile_overlayer_lowered;
	s5 =	simm.s32 $_tile_overlayer_lowered  }
0x9b: {  	s22 =	simm.s32 $0x1BFF;
	s21 =	sshll.u32 s5, $0x1;
	s2 =	sadd.s32 s19, s18  }
0x9c: {  	s6 =	simm.s32 $0x0;
	s20 =	sshll.u32 s4, $0x1;
	s4 =	sadd.s32 s21, s2  }
0x9d: {  	[timem:s6], [sflag:s22] =	dma.local [hbm:s4], s20  }
0x9e: {  	_ =	swait.ge [sflag:s22], s20  }
0x9f: {  	s3 =	ssub.s32 $0x0, s20;
	[sflag:s22] =	ssyncset.done $0x0  }
0xa0: {  	[sflag:s22] =	ssyncadd.s32 s3;
	_ =	sdelay $0x1  }
0xa1: {  	s23 =	simm.s32 $0x1B8B  }
0xa2: {  	_ =	swait.ge [sflag:s23], $0x1  }
0xa3: {  	[sflag:s23] =	ssyncset.done $0x0  }
0xa4: {  	s25 =	simm.s32 $0x1B8E;
	s24 =	sld [smem:$0x3FFE];
	[sflag:s23] =	ssyncadd.s32 $0xFFFFFFFF  }
0xa5: {  	s26 =	simm.s32 $execute0_lowered;
	[smem:$0x3FD2] =	sst s25  }
0xa6: {  	s4 =	sshll.u32 s26, $0x1;
	_ =	strace $0x80000046;
	[dreg:$0x1] =	wrdreg $0xFFFFFFFF  }
0xa7: {  	s28 =	simm.s32 $_size_execute0_lowered;
	s2 =	sadd.s32 s2, s4;
	[dreg:$0x0] =	wrdreg $0x0  }
0xa8: {  	s4 =	sshll.u32 s28, $0x1;
	[dreg:$0x2] =	wrdreg s2  }
0xa9: {  	[dreg:$0x3] =	wrdreg s4  }
0xaa: {  	[dreg:$0x4] =	wrdreg $0xC0  }
0xab: {  	_ =	task [dreg:s6], $0x5FFFF  }
0xac: {  	[dreg:$0x1] =	wrdreg $0xFFFFFFFF  }
0xad: {  	[dreg:$0x0] =	wrdreg $0x60  }
0xae: {  	[dreg:$0x2] =	wrdreg s24  }
0xaf: {  	[dreg:$0x3] =	wrdreg $0x9  }
0xb0: {  	_ =	task.clear_ibuf [dreg:s6], $0x4FFFF;
	_ =	strace $0x90000046  }
0xb1: {  	s29 =	simm.s32 $0x9;
	_ =	strace $0x80000048  }
0xb2: {  	_ =	swait.ge [sflag:s29], $0x1  }
0xb3: {  	[sflag:s29] =	ssyncadd.s32 $0xFFFFFFFF  }
0xb4: {  	_ =	strace $0x90000048  }
0xb5: {  	_ =	sfence  }
0xb6: {  	s30 =	sld [smem:$0x0];
	_ =	sdelay $0x2  }
0xb7: {  	s31 =	sshll.u32 s1, $0xD;
	s1 =	sshrl.u32 s1, $0x2  }
0xb8: {  	s3 =	sand.u32 $0x4000, s31;
	s1 =	sadd.s32 s1, s30  }
0xb9: {  	s0 =	sor.u32 s3, s0;
	s1 =	sshll.u32 s1, $0x11  }
0xba: {  	s0 =	sor.u32 s1, s0  }
0xbb: {  	s0 =	sadd.s32 $0x8F2B, s0  }
0xbc: {  	[sflag:s0] =	ssyncadd.remote.s32 $0x1  }
0xbd: {  	_ =	sfence.sel $0xFFFF  }
0xbe: {  	[dreg:$0x0] =	wrdreg $0xFFFFFFFF;
	(pc) =	sbr.abs _section_cstart, $3  }
0xbf: {  	[dreg:$0x1] =	wrdreg $0xFFFFFFFF  }
0xc0: {  	_ =	task.clear_ibuf [dreg:s6], $0x2FFFF;
	_ =	strace $0x9FFFFFFF  }
0xc1: {  	(tm) =	ssettm $0x7FFFFFFF  }
tec
execute0_lowered:
.L_overlay_start_1:
0x0: {  	(tag) =	ssettag $0x1  }
0x1: {  	s1 =	srdreg.scid  }
0x2: {  	s0 =	stileid.u32;
	s6 =	rddreg [dreg:$0x0];
	s11 =	simm.s32 $0x2  }
0x3: {  	s12 =	simm.s32 $0x8080;
	s13 =	simm.s32 $0x80;
	s14 =	simm.s32 $0x400  }
0x4: {  	s15 =	simm.s32 $0x18100;
	s16 =	simm.s32 $0x3;
	s17 =	simm.s32 $0x0  }
0x5: {  	s5 =	sand.u32 $0x1, s1;
	s2 =	sshrl.u32 s0, $0x2;
	s4 =	sshll.u32 s0, $0x7  }
0x6: {  	s29 =	sshll.u32 s0, $0x13;
	s1 =	sshll.u32 s5, $0x2;
	s9 =	sand.u32 $0x380, s4  }
0x7: {  	s4 =	sadd.s32 $0x40400, s6;
	s10 =	ssub.s32 $0x2, s5;
	s7 =	sor.u32 s2, s1  }
0x8: {  	s1 =	rddreg [dreg:$0x1];
	s2 =	simm.s32 $0x0;
	s3 =	sshrl.u32 s7, $0x1  }
0x9: {  	s30 =	sand.u32 $0x180000, s29;
	[smem:$0x7FF] =	sst s2;
	s8 =	smul.u32 $0x8400, s3  }
0xa: {  	s31 =	sshrl.u32 s10, $0x1;
	s7 =	sshll.u32 s7, $0x7;
	_ =	strace $0x80000047  }
0xb: {  	s3 =	sadd.s32 $0x400, s6;
	s5 =	sor.u32 s30, s7;
	s8 =	sor.u32 s9, s8  }
0xc: {  	s7 =	sshrl.u32 s5, $0x3;
	s9 =	ssub.s32 s10, s31;
	s8 =	sshrl.u32 s8, $0x3  }
0xd: {  	v2 =	vlaneseq.u32;
	s10 =	simm.s32 $0x1;
	s9 =	smax.u32 s9, $0x1;
	s8 =	sadd.s32 s8, s6  }
0xe: {  	v0 =	vimm.f32 $0.0e+00;
	v1 =	vimm.f32 $1.000000000e+00;
	v2 =	vmul.u32 $0x801, v2;
	s6 =	sadd.s32 s3, s7;
	s7 =	sadd.s32 s4, s7;
	s8 =	sadd.s32 $0x80400, s8  }
.LBB2_1:
0xf: {  	s18 =	simm.s32 $0x40  }
0x10: {  	[tilespmem:s18+$0x30] =	vst v0  }
0x11: {  	[tilespmem:s18+$0xFFFFFFF0] =	vst v0  }
0x12: {  	[tilespmem:s18+$0xFFFFFFC0] =	vst v0  }
0x13: {  	[tilespmem:s18+$0xFFFFFFE0] =	vst v0  }
0x14: {  	[tilespmem:s18+$0x10] =	vst v0  }
0x15: {  	[tilespmem:s18+$0x20] =	vst v0  }
0x16: {  	[tilespmem:s18+$0x0] =	vst v0  }
0x17: {  	s19 =	simm.s32 $0x80C0;
	[tilespmem:s18+$0xFFFFFFD0] =	vst v0  }
0x18: {  	[tilespmem:s19+$0xFFFFFFC0] =	vst v0  }
0x19: {  	[tilespmem:s19+$0x30] =	vst v0  }
0x1a: {  	[tilespmem:s19+$0x20] =	vst v0  }
0x1b: {  	[tilespmem:s19+$0x10] =	vst v0  }
0x1c: {  	[tilespmem:s19+$0xFFFFFFE0] =	vst v0  }
0x1d: {  	[tilespmem:s19+$0x0] =	vst v0  }
0x1e: {  	s20 =	simm.s32 $0x0;
	[tilespmem:s19+$0xFFFFFFF0] =	vst v0  }
.LBB2_2:
0x1f: {  	s20 =	sadd.s32 $0x8, s20;
	[tilespmem:s19+$0xFFFFFFD0] =	vst v0;
	s18 =	sadd.s32 $0x80, s18;
	s19 =	sadd.s32 $0x80, s19  }
0x20: {  	[tilespmem:s18+$0x30] =	vst v0;
	p0 =	slt.u32 s20, $0x7F8  }
0x21: {  	[tilespmem:s18+$0xFFFFFFF0] =	vst v0  }
0x22: {  	[tilespmem:s18+$0xFFFFFFC0] =	vst v0  }
0x23: {  	[tilespmem:s19+$0xFFFFFFC0] =	vst v0  }
0x24: {  	[tilespmem:s19+$0x30] =	vst v0  }
0x25: {  	[tilespmem:s18+$0xFFFFFFE0] =	vst v0  }
0x26: {  	[tilespmem:s18+$0x10] =	vst v0  }
0x27: {  	[tilespmem:s18+$0x20] =	vst v0  }
0x28: {  	[tilespmem:s19+$0x20] =	vst v0  }
0x29: {  	[tilespmem:s19+$0x10] =	vst v0  }
.Ltmp0:
0x2a: {  	[tilespmem:s19+$0xFFFFFFE0] =	vst v0;
	(pc) =	sbr.rel @p0 .LBB2_2-.Ltmp0, $4  }
0x2b: {  	[tilespmem:s18+$0x0] =	vst v0  }
0x2c: {  	[tilespmem:s19+$0x0] =	vst v0  }
0x2d: {  	[tilespmem:s19+$0xFFFFFFF0] =	vst v0  }
0x2e: {  	[tilespmem:s18+$0xFFFFFFD0] =	vst v0  }
0x2f: {  	[tilespmem:s19+$0xFFFFFFD0] =	vst v0  }
0x30: {  	s18 =	simm.s32 $0x10100;
	[tilespmem:$0x8000] =	vst v0  }
0x31: {  	s19 =	simm.s32 $0x80;
	s21 =	sadd.s32 $0x0, s6;
	s20 =	simm.s32 $0x10200;
	[tilespmem:$0x10080] =	vst v0  }
.LBB2_4:
0x32: {  	[tilespmem:s18], [sflag:$0x1] =	stream.linear.gather [hbm4b:s21+s2], $0x80, $0x38;
	[tilespmem:$0x19180] =	vst v63  }
0x33: {  	s21 =	smov.u32 s19;
	s18 =	smov.u32 s20;
	p0 =	sne.s32 s19, $0x1F80  }
.Ltmp1:
0x34: {  	s19 =	sadd.s32 $0x80, s19;
	(pc) =	sbr.rel @p0 .LBB2_4-.Ltmp1, $2  }
0x35: {  	_ =	sdelay $0x2  }
0x36: {  	s20 =	sadd.s32 $0x100, s20;
	s21 =	sadd.s32 s21, s6  }
0x37: {  	[tilespmem:s18], [sflag:$0x1] =	stream.linear.gather [hbm4b:s21+s2], $0x80, $0x38;
	[tilespmem:$0x19180] =	vst v63  }
0x38: {  	s20 =	simm.s32 $0x0;
	s18 =	simm.s32 $0x14100;
	s19 =	simm.s32 $0x0  }
.LBB2_6:
0x39: {  	p0 =	seq.s32 s19, $0x1F80  }
.Ltmp2:
0x3a: {  	_ = 	snop;
	(pc) =	sbr.rel @!p0 .LBB2_6-.Ltmp2, $4  }
0x3b: {  	_ = 	snop  }
0x3c: {  	s21 =	sadd.s32 s19, s7  }
0x3d: {  	[tilespmem:s18], [sflag:$0x2] =	stream.linear.gather [hbm4b:s21+s20], $0x80, $0x38;
	[tilespmem:$0x19180] =	vst v63  }
0x3e: {  	s19 =	sadd.s32 $0x80, s19;
	s18 =	sadd.s32 $0x100, s18  }
0x3f: {  	v3 =	vimm.f32 $0.0e+00  }
.LBB2_8:
0x40: {  	p0 =	seq.s32 s20, $0x7  }
.Ltmp3:
0x41: {  	_ = 	snop;
	(pc) =	sbr.rel @p0 .LBB2_14-.Ltmp3, $2  }
0x42: {  	_ =	sdelay $0x2  }
0x43: {  	s18 =	sadd.s32 $0x1, s20;
	s19 =	simm.s32 $0x80  }
0x44: {  	s19 =	sshll.u32 s20, $0x7;
	s31 =	sshll.u32 s18, $0x10  }
0x45: {  	s19 =	sand.u32 $0x80, s19;
	s21 =	sadd.s32 s5, s31  }
0x46: {  	s20 =	sxor.u32 $0x80, s19;
	s21 =	sshrl.u32 s21, $0x3  }
0x47: {  	s22 =	sor.u32 $0x10100, s20;
	s23 =	sadd.s32 s3, s21  }
0x48: {  	s24 =	simm.s32 $0x80;
	s26 =	sadd.s32 $0x0, s23;
	s25 =	sadd.s32 $0x100, s22  }
.LBB2_10:
0x49: {  	[tilespmem:s22], [sflag:$0x1] =	stream.linear.gather [hbm4b:s26+s2], $0x80, $0x38;
	[tilespmem:$0x19180] =	vst v63  }
0x4a: {  	s26 =	smov.u32 s24;
	s22 =	smov.u32 s25;
	p0 =	sne.s32 s24, $0x1F80  }
.Ltmp4:
0x4b: {  	s24 =	sadd.s32 $0x80, s24;
	(pc) =	sbr.rel @p0 .LBB2_10-.Ltmp4, $2  }
0x4c: {  	_ =	sdelay $0x2  }
0x4d: {  	s25 =	sadd.s32 $0x100, s25;
	s26 =	sadd.s32 s26, s23  }
0x4e: {  	[tilespmem:s22], [sflag:$0x1] =	stream.linear.gather [hbm4b:s26+s2], $0x80, $0x38;
	[tilespmem:$0x19180] =	vst v63  }
0x4f: {  	s20 =	sor.u32 $0x14100, s20;
	s21 =	sadd.s32 s4, s21  }
0x50: {  	s22 =	simm.s32 $0x80;
	s24 =	sadd.s32 $0x0, s21;
	s23 =	sadd.s32 $0x100, s20  }
.LBB2_12:
0x51: {  	[tilespmem:s20], [sflag:$0x2] =	stream.linear.gather [hbm4b:s24+s2], $0x80, $0x38;
	[tilespmem:$0x19180] =	vst v63  }
0x52: {  	s24 =	smov.u32 s22;
	s20 =	smov.u32 s23;
	p0 =	sne.s32 s22, $0x1F80  }
.Ltmp5:
0x53: {  	s22 =	sadd.s32 $0x80, s22;
	(pc) =	sbr.rel @p0 .LBB2_12-.Ltmp5, $2  }
0x54: {  	_ =	sdelay $0x2  }
0x55: {  	s23 =	sadd.s32 $0x100, s23;
	s24 =	sadd.s32 s24, s21  }
0x56: {  	[tilespmem:s20], [sflag:$0x2] =	stream.linear.gather [hbm4b:s24+s2], $0x80, $0x38;
	[tilespmem:$0x19180] =	vst v63  }
.LBB2_14:
0x57: {  	_ =	swait.ge [sflag:s10], $0x2000  }
0x58: {  	[sflag:s10] =	ssyncset.done $0x0  }
0x59: {  	[sflag:s10] =	ssyncadd.s32 $0xFFFFE000  }
0x5a: {  	_ =	swait.ge [sflag:s11], $0x2000  }
0x5b: {  	[sflag:s11] =	ssyncset.done $0x0  }
0x5c: {  	s20 =	sadd.s32 $0x10140, s19;
	[sflag:s11] =	ssyncadd.s32 $0xFFFFE000  }
0x5d: {  	s21 =	sadd.s32 $0x14140, s19;
	v5 =	vld [tilespmem:s20+$0x20]  }
0x5e: {  	v6 =	vld [tilespmem:s21+$0xFFFFFFC0]  }
0x5f: {  	v8 =	vld [tilespmem:s20+$0x30]  }
0x60: {  	v11 =	vld [tilespmem:s20+$0xFFFFFFD0]  }
0x61: {  	v16 =	vld [tilespmem:s20+$0x0]  }
0x62: {  	v10 =	vld [tilespmem:s20+$0xFFFFFFE0]  }
0x63: {  	v13 =	vld [tilespmem:s20+$0xFFFFFFC0]  }
0x64: {  	v4 =	vadd.f32 v5, v5  }
0x65: {  	v7 =	vld [tilespmem:s21+$0xFFFFFFD0];
	v20 =	vadd.f32 $1.000000000e+00, v8;
	v3 =	vadd.f32 v6, v3  }
0x66: {  	v9 =	vld [tilespmem:s21+$0xFFFFFFF0];
	v21 =	vadd.f32 v8, v8;
	v22 =	vadd.f32 v11, v11  }
0x67: {  	v18 =	vld [tilespmem:s21+$0xFFFFFFE0];
	v24 =	vadd.f32 v16, v16;
	v17 =	vadd.f32 v10, v10  }
0x68: {  	v19 =	vadd.f32 v13, v13;
	v15 =	vsub.f32 $4.000000000e+00, v4;
	v4 =	vld [tilespmem:s21+$0x20]  }
0x69: {  	v8 =	vld [tilespmem:s20+$0xFFFFFFF0];
	v23 =	vadd.f32 $1.000000000e+00, v13;
	v26 =	vadd.f32 $1.000000000e+00, v10  }
0x6a: {  	v25 =	vld [tilespmem:s20+$0x10];
	v14 =	vmul.f32 $1.024000000e+03, v7;
	v5 =	vadd.f32 $1.000000000e+00, v5;
	v11 =	vadd.f32 $1.000000000e+00, v11  }
0x6b: {  	v12 =	vmul.f32 $1.024000000e+03, v9;
	v16 =	vadd.f32 $1.000000000e+00, v16;
	v3 =	vadd.f32 v7, v3  }
0x6c: {  	v27 =	vld [tilespmem:s21+$0x0];
	v31 =	vmul.f32 $1.024000000e+03, v6;
	v28 =	vsub.f32 $4.000000000e+00, v17;
	v13 =	vsub.f32 $4.000000000e+00, v19  }
0x6d: {  	v17 =	vmul.f32 $1.024000000e+03, v18;
	v29 =	vadd.f32 v18, v3;
	v10 =	vmul.f32 v15, v4  }
0x6e: {  	v19 =	vadd.f32 $1.000000000e+00, v8;
	v30 =	vadd.f32 v8, v8;
	v15 =	vmul.f32 v13, v6  }
0x6f: {  	v3 =	vld [tilespmem:s21+$0x30];
	v18 =	vmul.f32 v28, v18;
	v8 =	vadd.f32 v10, v5;
	v5 =	vadd.f32 v25, v25  }
0x70: {  	v13 =	vld [tilespmem:s21+$0x10];
	v63 =	vmul.f32 $1.024000000e+03, v4;
	v6 =	vadd.f32 v15, v23;
	v15 =	vsub.f32 $4.000000000e+00, v21  }
0x71: {  	v10 =	vmul.f32 $1.024000000e+03, v27;
	v21 =	vsub.f32 $4.000000000e+00, v22;
	v23 =	vsub.f32 $4.000000000e+00, v30  }
0x72: {  	v25 =	vadd.f32 $1.000000000e+00, v25;
	v22 =	vmul.f32 $8.533333590e+01, v8;
	v28 =	vmul.f32 $8.533333590e+01, v6  }
0x73: {  	v62 =	vsub.f32 $4.000000000e+00, v5;
	v5 =	vadd.f32 v18, v26;
	v7 =	vmul.f32 v21, v7  }
0x74: {  	v26 =	vmul.f32 v15, v3;
	v18 =	vmul.f32 $1.024000000e+03, v3;
	v21 =	vmin.f32 v22, $1.023000000e+03  }
0x75: {  	v22 =	vmin.f32 v28, $1.023000000e+03;
	v28 =	vmul.f32 v62, v13;
	v15 =	vadd.f32 v7, v11  }
0x76: {  	v7 =	vadd.f32 v26, v20;
	v26 =	vmul.f32 $8.533333590e+01, v5;
	v20 =	vsub.f32 $4.000000000e+00, v24  }
0x77: {  	vm0 =	vgt.f32 v5, $0.0e+00;
	v21 =	vadd.f32 v21, v63;
	v11 =	vadd.f32 v28, v25  }
0x78: {  	v24 =	vadd.f32 v22, v31;
	v25 =	vadd.f32 v9, v29;
	v28 =	vmul.f32 $8.533333590e+01, v7  }
0x79: {  	v20 =	vmul.f32 v20, v27;
	v26 =	vmin.f32 v26, $1.023000000e+03;
	v22 =	vmul.f32 $8.533333590e+01, v11  }
0x7a: {  	v29 =	vtrunc.f32 v21;
	vm1 =	vgt.f32 v11, $0.0e+00;
	v21 =	vadd.f32 v27, v25  }
0x7b: {  	s19 =	simm.s32 $0x0;
	s20 =	sadd.s32 $0x100, s20;
	s21 =	sadd.s32 $0x100, s21;
	v25 =	vcvt.f32.s32 v29;
	v27 =	vmin.f32 v22, $1.023000000e+03;
	v22 =	vmin.f32 v28, $1.023000000e+03  }
.LBB2_15:
0x7c: {  	v28 =	vld [tilespmem:s20+$0x20];
	s19 =	sadd.s32 $0x8, s19;
	v29 =	vmul.f32 $8.533333590e+01, v15;
	v9 =	vmul.f32 v23, v9;
	vm2 =	vgt.f32 v7, $0.0e+00  }
0x7d: {  	v17 =	vadd.f32 v26, v17;
	v26 =	vmul.f32 $1.024000000e+03, v13;
	v23 =	vld [tilespmem:s21+$0xFFFFFFE0];
	p0 =	slt.u32 s19, $0x1F8;
	v20 =	vadd.f32 v20, v16  }
0x7e: {  	v25 =	vadd.s32 v2, v25;
	v16 =	vld [tilespmem:s21+$0x0];
	v29 =	vmin.f32 v29, $1.023000000e+03;
	v19 =	vadd.f32 v9, v19  }
0x7f: {  	v9 =	vtrunc.f32 v24;
	v17 =	vtrunc.f32 v17;
	v24 =	vadd.f32 v27, v26;
	v30 =	vld [tilespmem:s21+$0x20]  }
0x80: {  	v27 =	vcvt.f32.s32 v9;
	v14 =	vadd.f32 v29, v14;
	v26 =	vld [tilespmem:s21+$0xFFFFFFC0];
	v29 =	vmul.f32 $8.533333590e+01, v19  }
0x81: {  	vm5 =	vgt.f32 v8, $0.0e+00;
	vm3 =	vgt.f32 v19, $0.0e+00;
	v24 =	vtrunc.f32 v24;
	v9 =	vld [tilespmem:s21+$0xFFFFFFF0]  }
0x82: {  	v17 =	vcvt.f32.s32 v17;
	v24 =	vcvt.f32.s32 v24;
	v31 =	vld [tilespmem:s21+$0xFFFFFFD0];
	v29 =	vmin.f32 v29, $1.023000000e+03  }
0x83: {  	v27 =	vadd.s32 v2, v27;
	v14 =	vtrunc.f32 v14;
	v32 =	vld [tilespmem:s21+$0x30];
	v12 =	vadd.f32 v29, v12  }
0x84: {  	v13 =	vadd.f32 v13, v21;
	v33 =	vmul.f32 $8.533333590e+01, v20;
	v24 =	vadd.s32 v2, v24;
	v29 =	vld [tilespmem:s20+$0x30]  }
0x85: {  	v34 =	vadd.s32 v2, v17;
	v14 =	vcvt.f32.s32 v14;
	v21 =	vld [tilespmem:s20+$0xFFFFFFD0];
	v12 =	vtrunc.f32 v12  }
0x86: {  	v13 =	vadd.f32 v4, v13;
	v17 =	vadd.f32 v28, v28;
	v4 =	vmovc v30;
	v35 =	vld [tilespmem:s20+$0x10];
	v12 =	vcvt.f32.s32 v12  }
0x87: {  	v18 =	vadd.f32 v22, v18;
	v33 =	vmin.f32 v33, $1.023000000e+03;
	v36 =	vadd.s32 v2, v14;
	v30 =	vld [tilespmem:s20+$0x0]  }
0x88: {  	v17 =	vsub.f32 $4.000000000e+00, v17;
	v22 =	vld [tilespmem:s20+$0xFFFFFFE0];
	v37 =	vadd.s32 v2, v12;
	v12 =	vadd.f32 v3, v13;
	v3 =	vmovc v32  }
0x89: {  	vm7 =	vgt.f32 v15, $0.0e+00;
	v13 =	vld [tilespmem:s20+$0xFFFFFFC0];
	v32 =	vadd.f32 $1.000000000e+00, v29;
	v29 =	vadd.f32 v29, v29  }
0x8a: {  	v14 =	vmul.f32 $1.024000000e+03, v31;
	v38 =	vadd.f32 v26, v12;
	v39 =	vadd.f32 v21, v21;
	[tilespmem:v25+s2+$0x0] =	vst.idx.add.f32.msk vm5, v1  }
0x8b: {  	vm6 =	vgt.f32 v6, $0.0e+00;
	v10 =	vadd.f32 v33, v10;
	v12 =	vmul.f32 $1.024000000e+03, v9;
	[tilespmem:v24+s2+$0x0] =	vst.idx.add.f32.msk vm1, v1  }
0x8c: {  	vm4 =	vgt.f32 v20, $0.0e+00;
	v33 =	vld [tilespmem:s20+$0xFFFFFFF0];
	v40 =	vadd.f32 v30, v30  }
0x8d: {  	v18 =	vtrunc.f32 v18;
	v38 =	vadd.f32 v31, v38;
	v41 =	vadd.f32 v22, v22;
	[tilespmem:v37+s2+$0x0] =	vst.idx.add.f32.msk vm3, v1  }
0x8e: {  	v42 =	vadd.f32 $1.000000000e+00, v13;
	v13 =	vadd.f32 v13, v13;
	[tilespmem:v25+s12+$0x0] =	vst.idx.add.f32.msk vm5, v8;
	v8 =	vcvt.f32.s32 v18  }
0x8f: {  	v18 =	vadd.f32 $1.000000000e+00, v22;
	v25 =	vmul.f32 v17, v4;
	v22 =	vsub.f32 $4.000000000e+00, v41;
	[tilespmem:v36+s2+$0x0] =	vst.idx.add.f32.msk vm7, v1  }
0x90: {  	v10 =	vtrunc.f32 v10;
	v38 =	vadd.f32 v23, v38;
	v13 =	vsub.f32 $4.000000000e+00, v13;
	[tilespmem:v36+s12+$0x0] =	vst.idx.add.f32.msk vm7, v15  }
0x91: {  	v10 =	vcvt.f32.s32 v10;
	v17 =	vmul.f32 $1.024000000e+03, v23;
	v15 =	vadd.f32 $1.000000000e+00, v28;
	[tilespmem:v37+s12+$0x0] =	vst.idx.add.f32.msk vm3, v19  }
0x92: {  	v36 =	vadd.s32 v2, v8;
	v19 =	vadd.f32 $1.000000000e+00, v33;
	v28 =	vmul.f32 v13, v26;
	[tilespmem:v34+s2+$0x0] =	vst.idx.add.f32.msk vm0, v1  }
0x93: {  	v33 =	vadd.f32 v33, v33;
	v8 =	vadd.f32 v25, v15;
	v15 =	vadd.s32 v2, v10;
	v13 =	vld [tilespmem:s21+$0x10]  }
0x94: {  	v25 =	vmul.f32 $1.024000000e+03, v26;
	v10 =	vmul.f32 $1.024000000e+03, v16;
	v26 =	vadd.f32 v35, v35;
	[tilespmem:v24+s12+$0x0] =	vst.idx.add.f32.msk vm1, v11  }
0x95: {  	v11 =	vadd.f32 v28, v42;
	v24 =	vsub.f32 $4.000000000e+00, v29;
	[tilespmem:v27+s2+$0x0] =	vst.idx.add.f32.msk vm6, v1  }
0x96: {  	v22 =	vmul.f32 v22, v23;
	v28 =	vsub.f32 $4.000000000e+00, v39;
	v29 =	vmul.f32 $8.533333590e+01, v8;
	[tilespmem:v27+s12+$0x0] =	vst.idx.add.f32.msk vm6, v6  }
0x97: {  	v23 =	vsub.f32 $4.000000000e+00, v33;
	v26 =	vsub.f32 $4.000000000e+00, v26;
	v27 =	vmul.f32 $8.533333590e+01, v11;
	v6 =	vmovc v11;
	[tilespmem:v36+s2+$0x0] =	vst.idx.add.f32.msk vm2, v1  }
0x98: {  	v22 =	vadd.f32 v22, v18;
	v11 =	vadd.f32 $1.000000000e+00, v35;
	v24 =	vmul.f32 v24, v3;
	[tilespmem:v15+s2+$0x0] =	vst.idx.add.f32.msk vm4, v1  }
0x99: {  	v21 =	vadd.f32 $1.000000000e+00, v21;
	v28 =	vmul.f32 v28, v31;
	v29 =	vmin.f32 v29, $1.023000000e+03;
	[tilespmem:v15+s12+$0x0] =	vst.idx.add.f32.msk vm4, v20  }
0x9a: {  	v18 =	vmul.f32 $1.024000000e+03, v3;
	v26 =	vmul.f32 v26, v13;
	v20 =	vmin.f32 v27, $1.023000000e+03;
	[tilespmem:v36+s12+$0x0] =	vst.idx.add.f32.msk vm2, v7  }
0x9b: {  	v15 =	vadd.f32 v28, v21;
	v21 =	vmul.f32 $1.024000000e+03, v4;
	v7 =	vadd.f32 v24, v32;
	[tilespmem:v34+s12+$0x0] =	vst.idx.add.f32.msk vm0, v5  }
0x9c: {  	v27 =	vmul.f32 $8.533333590e+01, v22;
	v28 =	vsub.f32 $4.000000000e+00, v40;
	v11 =	vadd.f32 v26, v11;
	v5 =	vmovc v22  }
.Ltmp6:
0x9d: {  	v22 =	vadd.f32 v9, v38;
	v21 =	vadd.f32 v29, v21;
	vm0 =	vgt.f32 v5, $0.0e+00;
	(pc) =	sbr.rel @p0 .LBB2_15-.Ltmp6, $4  }
0x9e: {  	v24 =	vadd.f32 v20, v25;
	v29 =	vmul.f32 $8.533333590e+01, v11;
	v31 =	vmul.f32 $8.533333590e+01, v7  }
0x9f: {  	v20 =	vmul.f32 v28, v16;
	vm1 =	vgt.f32 v11, $0.0e+00;
	v25 =	vtrunc.f32 v21  }
0xa0: {  	v26 =	vmin.f32 v27, $1.023000000e+03;
	v21 =	vadd.f32 v16, v22;
	v25 =	vcvt.f32.s32 v25  }
0xa1: {  	s20 =	sadd.s32 $0x100, s20;
	s21 =	sadd.s32 $0x100, s21;
	v16 =	vadd.f32 $1.000000000e+00, v30;
	v27 =	vmin.f32 v29, $1.023000000e+03;
	v22 =	vmin.f32 v31, $1.023000000e+03  }
0xa2: {  	v9 =	vmul.f32 v23, v9;
	v56 =	vmul.f32 $1.024000000e+03, v13  }
0xa3: {  	v28 =	vmul.f32 $8.533333590e+01, v15;
	vm2 =	vgt.f32 v8, $0.0e+00;
	v17 =	vadd.f32 v26, v17  }
0xa4: {  	v59 =	vadd.s32 v2, v25;
	v24 =	vtrunc.f32 v24;
	v18 =	vadd.f32 v22, v18  }
0xa5: {  	vm5 =	vgt.f32 v6, $0.0e+00;
	vm14 =	vgt.f32 v7, $0.0e+00;
	v60 =	vcvt.f32.s32 v24  }
0xa6: {  	v16 =	vadd.f32 v20, v16;
	v9 =	vadd.f32 v9, v19;
	v17 =	vtrunc.f32 v17  }
0xa7: {  	v18 =	vtrunc.f32 v18;
	v17 =	vcvt.f32.s32 v17;
	v61 =	vadd.s32 v2, v60  }
0xa8: {  	v19 =	vadd.f32 v27, v56;
	v58 =	vmin.f32 v28, $1.023000000e+03;
	v18 =	vcvt.f32.s32 v18  }
0xa9: {  	v14 =	vadd.f32 v58, v14;
	v20 =	vmul.f32 $8.533333590e+01, v16;
	v17 =	vadd.s32 v2, v17  }
0xaa: {  	v57 =	vmul.f32 $8.533333590e+01, v9;
	v19 =	vtrunc.f32 v19;
	v62 =	vadd.s32 v2, v18;
	[tilespmem:v59+s2+$0x0] =	vst.idx.add.f32.msk vm2, v1  }
0xab: {  	v19 =	vcvt.f32.s32 v19;
	v14 =	vtrunc.f32 v14;
	v20 =	vmin.f32 v20, $1.023000000e+03;
	[tilespmem:v59+s12+$0x0] =	vst.idx.add.f32.msk vm2, v8  }
0xac: {  	v23 =	vmin.f32 v57, $1.023000000e+03;
	v14 =	vcvt.f32.s32 v14;
	v10 =	vadd.f32 v20, v10;
	[tilespmem:v61+s2+$0x0] =	vst.idx.add.f32.msk vm5, v1  }
0xad: {  	vm4 =	vgt.f32 v15, $0.0e+00;
	v12 =	vadd.f32 v23, v12;
	v19 =	vadd.s32 v2, v19;
	[tilespmem:v61+s12+$0x0] =	vst.idx.add.f32.msk vm5, v6  }
0xae: {  	v14 =	vadd.s32 v2, v14;
	v10 =	vtrunc.f32 v10;
	[tilespmem:v17+s2+$0x0] =	vst.idx.add.f32.msk vm0, v1  }
0xaf: {  	v12 =	vtrunc.f32 v12;
	v10 =	vcvt.f32.s32 v10;
	[tilespmem:v62+s2+$0x0] =	vst.idx.add.f32.msk vm14, v1  }
0xb0: {  	vm15 =	vgt.f32 v16, $0.0e+00;
	v12 =	vcvt.f32.s32 v12;
	[tilespmem:v62+s12+$0x0] =	vst.idx.add.f32.msk vm14, v7  }
0xb1: {  	vm3 =	vgt.f32 v9, $0.0e+00;
	v10 =	vadd.s32 v2, v10;
	[tilespmem:v17+s12+$0x0] =	vst.idx.add.f32.msk vm0, v5  }
0xb2: {  	v12 =	vadd.s32 v2, v12;
	[tilespmem:v19+s2+$0x0] =	vst.idx.add.f32.msk vm1, v1  }
0xb3: {  	[tilespmem:v14+s2+$0x0] =	vst.idx.add.f32.msk vm4, v1  }
0xb4: {  	p0 =	seq.s32 s18, $0x8;
	[tilespmem:v19+s12+$0x0] =	vst.idx.add.f32.msk vm1, v11  }
.Ltmp7:
0xb5: {  	v63 =	vadd.f32 v13, v21;
	[tilespmem:v14+s12+$0x0] =	vst.idx.add.f32.msk vm4, v15;
	(pc) =	sbr.rel @!p0 .LBB2_8-.Ltmp7, $4  }
0xb6: {  	[tilespmem:v10+s2+$0x0] =	vst.idx.add.f32.msk vm15, v1  }
0xb7: {  	v4 =	vadd.f32 v4, v63;
	[tilespmem:v12+s2+$0x0] =	vst.idx.add.f32.msk vm3, v1  }
0xb8: {  	[tilespmem:v10+s12+$0x0] =	vst.idx.add.f32.msk vm15, v16  }
0xb9: {  	s20 =	smov.u32 s18;
	v3 =	vadd.f32 v3, v4;
	[tilespmem:v12+s12+$0x0] =	vst.idx.add.f32.msk vm3, v9  }
0xba: {  	s20 =	simm.s32 $0x0  }
0xbb: {  	v4 =	vld [tilespmem:s20+$0x8090]  }
0xbc: {  	v5 =	vld [tilespmem:s20+$0x8891]  }
0xbd: {  	v13 =	vld [tilespmem:s20+$0x0]  }
0xbe: {  	v6 =	vld [tilespmem:s20+$0x9092]  }
0xbf: {  	v14 =	vld [tilespmem:s20+$0x8080]  }
0xc0: {  	v15 =	vld [tilespmem:s20+$0x9893]  }
0xc1: {  	v16 =	vld [tilespmem:s20+$0x801]  }
0xc2: {  	v17 =	vld [tilespmem:s20+$0xA094]  }
0xc3: {  	v18 =	vld [tilespmem:s20+$0x8881]  }
0xc4: {  	v19 =	vld [tilespmem:s20+$0xA895]  }
0xc5: {  	v20 =	vld [tilespmem:s20+$0x10]  }
0xc6: {  	v21 =	vld [tilespmem:s20+$0xB096]  }
0xc7: {  	v22 =	vld [tilespmem:s20+$0x811]  }
0xc8: {  	v23 =	vld [tilespmem:s20+$0xB897]  }
0xc9: {  	v24 =	vld [tilespmem:s20+$0x1002]  }
0xca: {  	v25 =	vld [tilespmem:s20+$0xC098]  }
0xcb: {  	v26 =	vld [tilespmem:s20+$0x9082]  }
0xcc: {  	v27 =	vld [tilespmem:s20+$0xC899]  }
0xcd: {  	v28 =	vld [tilespmem:s20+$0x1012]  }
0xce: {  	v29 =	vld [tilespmem:s20+$0xD09A]  }
0xcf: {  	v30 =	vld [tilespmem:s20+$0x1803]  }
0xd0: {  	v31 =	vld [tilespmem:s20+$0xD89B]  }
0xd1: {  	v32 =	vld [tilespmem:s20+$0x9883]  }
0xd2: {  	v33 =	vld [tilespmem:s20+$0xE09C]  }
0xd3: {  	v34 =	vld [tilespmem:s20+$0x1813]  }
0xd4: {  	v35 =	vld [tilespmem:s20+$0xE89D]  }
0xd5: {  	v36 =	vld [tilespmem:s20+$0x2004]  }
0xd6: {  	v37 =	vld [tilespmem:s20+$0xF09E]  }
0xd7: {  	v38 =	vld [tilespmem:s20+$0xA084]  }
0xd8: {  	v39 =	vld [tilespmem:s20+$0xF89F]  }
0xd9: {  	v40 =	vld [tilespmem:s20+$0x2014]  }
0xda: {  	v41 =	vld [tilespmem:s20+$0x2805]  }
0xdb: {  	v42 =	vld [tilespmem:s20+$0xA885]  }
0xdc: {  	v43 =	vld [tilespmem:s20+$0x2815]  }
0xdd: {  	v44 =	vld [tilespmem:s20+$0x3006]  }
0xde: {  	v45 =	vld [tilespmem:s20+$0xB086]  }
0xdf: {  	v46 =	vld [tilespmem:s20+$0x3016]  }
0xe0: {  	v47 =	vld [tilespmem:s20+$0x3807]  }
0xe1: {  	v48 =	vld [tilespmem:s20+$0xB887]  }
0xe2: {  	v49 =	vld [tilespmem:s20+$0x3817]  }
0xe3: {  	v50 =	vld [tilespmem:s20+$0x4008]  }
0xe4: {  	v51 =	vld [tilespmem:s20+$0xC088]  }
0xe5: {  	v52 =	vld [tilespmem:s20+$0x4018]  }
0xe6: {  	v53 =	vld [tilespmem:s20+$0x4809]  }
0xe7: {  	v54 =	vld [tilespmem:s20+$0xC889]  }
0xe8: {  	v55 =	vld [tilespmem:s20+$0x4819]  }
0xe9: {  	v56 =	vld [tilespmem:s20+$0x500A]  }
0xea: {  	v57 =	vld [tilespmem:s20+$0xD08A]  }
0xeb: {  	v58 =	vld [tilespmem:s20+$0x501A]  }
0xec: {  	v59 =	vld [tilespmem:s20+$0x580B]  }
0xed: {  	v60 =	vld [tilespmem:s20+$0xD88B]  }
0xee: {  	v61 =	vld [tilespmem:s20+$0x581B]  }
0xef: {  	v62 =	vld [tilespmem:s20+$0x600C];
	v4 =	vadd.f32 v5, v4  }
0xf0: {  	v63 =	vld [tilespmem:s20+$0xE08C]  }
0xf1: {  	v5 =	vadd.f32 v6, v4;
	v4 =	vld [tilespmem:s20+$0xF08E]  }
0xf2: {  	v8 =	vld [tilespmem:s20+$0x601C]  }
0xf3: {  	v12 =	vld [tilespmem:s20+$0x680D]  }
0xf4: {  	v11 =	vld [tilespmem:s20+$0xE88D]  }
0xf5: {  	v10 =	vld [tilespmem:s20+$0x681D]  }
0xf6: {  	v9 =	vld [tilespmem:s20+$0x700E];
	[tilespmem:$0x1FFC0] =	vst v4  }
0xf7: {  	v4 =	vld [tilespmem:s20+$0x701E];
	_ =	sdelay $0x4  }
0xf8: {  	[tilespmem:$0x1FFD0] =	vst v4  }
0xf9: {  	v4 =	vld [tilespmem:s20+$0x780F];
	_ =	sdelay $0x4  }
0xfa: {  	[tilespmem:$0x1FFE0] =	vst v4  }
0xfb: {  	v15 =	vadd.f32 v15, v5;
	v4 =	vld [tilespmem:s20+$0xF88F];
	_ =	sdelay $0x1  }
0xfc: {  	v17 =	vadd.f32 v17, v15;
	_ =	sdelay $0x1  }
0xfd: {  	v17 =	vadd.f32 v19, v17  }
0xfe: {  	[tilespmem:$0x1FFF0] =	vst v4  }
0xff: {  	s19 =	simm.s32 $0x20;
	v17 =	vadd.f32 v21, v17;
	v15 =	vld [tilespmem:s20+$0x781F]  }
0x100: {  	v4 =	vld [tilespmem:s19+$0x8090]  }
0x101: {  	v17 =	vadd.f32 v23, v17;
	v19 =	vld [tilespmem:s19+$0x8891]  }
0x102: {  	v7 =	vld [tilespmem:s19+$0x0]  }
0x103: {  	v17 =	vadd.f32 v25, v17;
	v21 =	vld [tilespmem:s19+$0x9092]  }
0x104: {  	v6 =	vld [tilespmem:s19+$0x8080]  }
0x105: {  	v17 =	vadd.f32 v27, v17;
	v23 =	vld [tilespmem:s19+$0x9893]  }
0x106: {  	v5 =	vld [tilespmem:s19+$0x801]  }
0x107: {  	v13 =	vadd.f32 v16, v13;
	v16 =	vadd.f32 v29, v17;
	v25 =	vld [tilespmem:s19+$0xA094]  }
0x108: {  	v27 =	vld [tilespmem:s19+$0xA895]  }
0x109: {  	v14 =	vadd.f32 v18, v14;
	v16 =	vadd.f32 v31, v16;
	v29 =	vld [tilespmem:s19+$0xB096]  }
0x10a: {  	v20 =	vadd.f32 v22, v20;
	v18 =	vld [tilespmem:s19+$0x811]  }
0x10b: {  	v14 =	vadd.f32 v26, v14;
	v16 =	vadd.f32 v33, v16;
	v31 =	vld [tilespmem:s19+$0xB897]  }
0x10c: {  	v20 =	vadd.f32 v28, v20;
	v33 =	vld [tilespmem:s19+$0xC098]  }
0x10d: {  	v14 =	vadd.f32 v32, v14;
	v16 =	vadd.f32 v35, v16;
	v35 =	vld [tilespmem:s19+$0xC899]  }
0x10e: {  	v20 =	vadd.f32 v34, v20;
	v17 =	vld [tilespmem:s19+$0x1012]  }
0x10f: {  	v14 =	vadd.f32 v38, v14;
	v16 =	vadd.f32 v37, v16;
	v37 =	vld [tilespmem:s19+$0xD09A]  }
0x110: {  	v20 =	vadd.f32 v40, v20;
	v22 =	vld [tilespmem:s19+$0x1803]  }
0x111: {  	v13 =	vadd.f32 v24, v13;
	v14 =	vadd.f32 v42, v14;
	v24 =	vld [tilespmem:s19+$0x9883]  }
0x112: {  	v20 =	vadd.f32 v43, v20;
	v42 =	vld [tilespmem:s19+$0xE09C]  }
0x113: {  	v14 =	vadd.f32 v45, v14;
	v26 =	vld [tilespmem:s19+$0x1813];
	v4 =	vadd.f32 v19, v4  }
0x114: {  	v20 =	vadd.f32 v46, v20;
	v45 =	vld [tilespmem:s19+$0xE89D]  }
0x115: {  	v14 =	vadd.f32 v48, v14;
	v48 =	vld [tilespmem:s19+$0xF09E];
	v4 =	vadd.f32 v21, v4  }
0x116: {  	v13 =	vadd.f32 v30, v13;
	v20 =	vadd.f32 v49, v20;
	v49 =	vld [tilespmem:s19+$0xA084]  }
0x117: {  	v14 =	vadd.f32 v51, v14;
	v51 =	vld [tilespmem:s19+$0xF89F];
	v4 =	vadd.f32 v23, v4  }
0x118: {  	v13 =	vadd.f32 v36, v13;
	v20 =	vadd.f32 v52, v20;
	v36 =	vld [tilespmem:s19+$0x2014]  }
0x119: {  	v38 =	vld [tilespmem:s19+$0xA885];
	v4 =	vadd.f32 v25, v4  }
0x11a: {  	v13 =	vadd.f32 v41, v13;
	v20 =	vadd.f32 v55, v20;
	v40 =	vld [tilespmem:s19+$0x3006]  }
0x11b: {  	v41 =	vld [tilespmem:s19+$0xB086];
	v4 =	vadd.f32 v27, v4  }
0x11c: {  	v13 =	vadd.f32 v44, v13;
	v20 =	vadd.f32 v58, v20;
	v43 =	vld [tilespmem:s19+$0x3817]  }
0x11d: {  	v44 =	vld [tilespmem:s19+$0x4008];
	v4 =	vadd.f32 v29, v4  }
0x11e: {  	v13 =	vadd.f32 v47, v13;
	v20 =	vadd.f32 v61, v20;
	v46 =	vld [tilespmem:s19+$0x4018]  }
0x11f: {  	v47 =	vld [tilespmem:s19+$0x4809];
	v4 =	vadd.f32 v31, v4  }
0x120: {  	v13 =	vadd.f32 v50, v13;
	v8 =	vadd.f32 v8, v20;
	v50 =	vld [tilespmem:s19+$0x500A]  }
0x121: {  	v16 =	vadd.f32 v39, v16;
	v39 =	vld [tilespmem:s19+$0xD89B];
	v4 =	vadd.f32 v33, v4  }
0x122: {  	v23 =	vld [tilespmem:s19+$0x1002]  }
0x123: {  	v8 =	vadd.f32 v10, v8;
	v10 =	vld [tilespmem:s19+$0xD08A];
	v4 =	vadd.f32 v35, v4  }
0x124: {  	v13 =	vadd.f32 v53, v13;
	v14 =	vadd.f32 v54, v14;
	v19 =	vld [tilespmem:s19+$0x8881]  }
0x125: {  	v5 =	vadd.f32 v5, v7;
	v21 =	vld [tilespmem:s19+$0x10];
	v4 =	vadd.f32 v37, v4  }
0x126: {  	v13 =	vadd.f32 v56, v13;
	v14 =	vadd.f32 v57, v14;
	v27 =	vld [tilespmem:s19+$0x2004]  }
0x127: {  	v25 =	vld [tilespmem:s19+$0x9082];
	v5 =	vadd.f32 v23, v5;
	v4 =	vadd.f32 v39, v4  }
0x128: {  	v13 =	vadd.f32 v59, v13;
	v14 =	vadd.f32 v60, v14;
	v37 =	vld [tilespmem:s19+$0x2805]  }
0x129: {  	v52 =	vld [tilespmem:s19+$0xD88B];
	v5 =	vadd.f32 v22, v5;
	v4 =	vadd.f32 v42, v4  }
0x12a: {  	v54 =	vld [tilespmem:s19+$0x581B];
	v6 =	vadd.f32 v19, v6;
	v18 =	vadd.f32 v18, v21  }
0x12b: {  	v55 =	vld [tilespmem:s19+$0x600C];
	v5 =	vadd.f32 v27, v5;
	v4 =	vadd.f32 v45, v4  }
0x12c: {  	v7 =	vld [tilespmem:s19+$0x3807];
	v17 =	vadd.f32 v17, v18;
	v6 =	vadd.f32 v25, v6  }
0x12d: {  	v39 =	vld [tilespmem:s19+$0x2815];
	v5 =	vadd.f32 v37, v5;
	v4 =	vadd.f32 v48, v4  }
0x12e: {  	v57 =	vld [tilespmem:s19+$0xE08C];
	v17 =	vadd.f32 v26, v17;
	v6 =	vadd.f32 v24, v6  }
0x12f: {  	v42 =	vld [tilespmem:s19+$0x3016];
	v5 =	vadd.f32 v40, v5;
	v4 =	vadd.f32 v51, v4  }
0x130: {  	v17 =	vadd.f32 v36, v17;
	v6 =	vadd.f32 v49, v6;
	v49 =	vld [tilespmem:s19+$0x4819]  }
0x131: {  	v13 =	vadd.f32 v62, v13;
	v5 =	vadd.f32 v7, v5;
	[tilespmem:s19+$0x18910] =	vst v4;
	v4 =	vld [tilespmem:s19+$0xB887]  }
0x132: {  	v6 =	vadd.f32 v38, v6;
	v45 =	vld [tilespmem:s19+$0xC088];
	v17 =	vadd.f32 v39, v17  }
0x133: {  	v14 =	vadd.f32 v63, v14;
	v48 =	vld [tilespmem:s19+$0xC889];
	v5 =	vadd.f32 v44, v5  }
0x134: {  	v6 =	vadd.f32 v41, v6;
	v17 =	vadd.f32 v42, v17;
	v7 =	vld [tilespmem:s19+$0x580B]  }
0x135: {  	v12 =	vadd.f32 v12, v13;
	v53 =	vld [tilespmem:$0x1FFC0];
	v5 =	vadd.f32 v47, v5  }
0x136: {  	v56 =	vld [tilespmem:$0x1FFD0];
	v4 =	vadd.f32 v4, v6;
	v6 =	vadd.f32 v43, v17  }
0x137: {  	v11 =	vadd.f32 v11, v14;
	v51 =	vld [tilespmem:s19+$0x501A];
	v5 =	vadd.f32 v50, v5  }
0x138: {  	v59 =	vld [tilespmem:$0x1FFE0];
	v4 =	vadd.f32 v45, v4;
	v6 =	vadd.f32 v46, v6  }
0x139: {  	v9 =	vadd.f32 v9, v12;
	v58 =	vld [tilespmem:s19+$0x601C];
	v7 =	vadd.f32 v7, v5  }
0x13a: {  	v61 =	vld [tilespmem:$0x1FFF0];
	v4 =	vadd.f32 v48, v4;
	v6 =	vadd.f32 v49, v6  }
0x13b: {  	v60 =	vld [tilespmem:s19+$0x680D];
	v11 =	vadd.f32 v53, v11;
	v8 =	vadd.f32 v56, v8  }
0x13c: {  	v62 =	vld [tilespmem:s19+$0x681D];
	v4 =	vadd.f32 v10, v4;
	v6 =	vadd.f32 v51, v6  }
0x13d: {  	v9 =	vadd.f32 v59, v9;
	v7 =	vadd.f32 v55, v7;
	v10 =	vld [tilespmem:s19+$0xE88D]  }
0x13e: {  	v5 =	vld [tilespmem:s19+$0x700E];
	v12 =	vadd.f32 v52, v4;
	v6 =	vadd.f32 v54, v6  }
0x13f: {  	s18 =	simm.s32 $0x0;
	[tilespmem:s20+$0x18910] =	vst v16;
	v11 =	vadd.f32 v61, v11;
	v8 =	vadd.f32 v15, v8;
	v4 =	vld [tilespmem:s19+$0xF08E]  }
0x140: {  	s21 =	sand.u32 $0x7E0, s18;
	[tilespmem:s20+$0x18100] =	vst v9;
	v12 =	vadd.f32 v57, v12;
	v63 =	vadd.f32 v58, v6;
	v6 =	vld [tilespmem:s19+$0x701E]  }
0x141: {  	v9 =	vadd.f32 v60, v7;
	v7 =	vld [tilespmem:s19+$0x780F];
	[tilespmem:s21+$0x18900] =	vst v11  }
0x142: {  	s21 =	simm.s32 $0x2;
	[tilespmem:s20+$0x18110] =	vst v8;
	v8 =	vld [tilespmem:s19+$0xF88F];
	s20 =	simm.s32 $0x100;
	v10 =	vadd.f32 v10, v12;
	v11 =	vadd.f32 v62, v63  }
.LBB2_18:
0x143: {  	s22 =	sshra.s32 s20, $0x2;
	v5 =	vadd.f32 v5, v9;
	v9 =	vld [tilespmem:s19+$0x781F]  }
0x144: {  	s21 =	sadd.s32 $0x2, s21;
	v12 =	vld [tilespmem:s22+$0x8090];
	v4 =	vadd.f32 v4, v10  }
0x145: {  	p0 =	slt.u32 s21, $0x7E;
	v10 =	vld [tilespmem:s22+$0x8891];
	v6 =	vadd.f32 v6, v11  }
0x146: {  	v11 =	vld [tilespmem:s22+$0x0];
	v5 =	vadd.f32 v7, v5  }
0x147: {  	s18 =	sadd.s32 $0x20, s18;
	v7 =	vld [tilespmem:s22+$0x9092];
	v4 =	vadd.f32 v8, v4  }
0x148: {  	s23 =	sand.u32 $0x7E0, s18;
	v8 =	vld [tilespmem:s22+$0x8080];
	[tilespmem:s19+$0x18100] =	vst v5;
	v5 =	vadd.f32 v9, v6  }
0x149: {  	v6 =	vld [tilespmem:s22+$0x9893];
	[tilespmem:s23+$0x18900] =	vst v4  }
0x14a: {  	v4 =	vld [tilespmem:s22+$0x801];
	v9 =	vadd.f32 v10, v12;
	[tilespmem:s19+$0x18110] =	vst v5;
	s19 =	smov.u32 s22  }
0x14b: {  	v5 =	vld [tilespmem:s19+$0xA094]  }
0x14c: {  	v10 =	vld [tilespmem:s19+$0x8881];
	v7 =	vadd.f32 v7, v9  }
0x14d: {  	v9 =	vld [tilespmem:s19+$0xA895]  }
0x14e: {  	v12 =	vld [tilespmem:s19+$0x10];
	v6 =	vadd.f32 v6, v7  }
0x14f: {  	v4 =	vadd.f32 v4, v11;
	v7 =	vld [tilespmem:s19+$0xB096]  }
0x150: {  	v11 =	vld [tilespmem:s19+$0x811];
	v5 =	vadd.f32 v5, v6  }
0x151: {  	v6 =	vadd.f32 v10, v8;
	v8 =	vld [tilespmem:s19+$0xB897]  }
0x152: {  	v10 =	vld [tilespmem:s19+$0x1002];
	v5 =	vadd.f32 v9, v5  }
0x153: {  	v9 =	vld [tilespmem:s19+$0xC098]  }
0x154: {  	v13 =	vld [tilespmem:s19+$0x9082];
	v5 =	vadd.f32 v7, v5  }
0x155: {  	v7 =	vadd.f32 v11, v12;
	v11 =	vld [tilespmem:s19+$0xC899]  }
0x156: {  	v12 =	vld [tilespmem:s19+$0x1012];
	v5 =	vadd.f32 v8, v5  }
0x157: {  	v4 =	vadd.f32 v10, v4;
	v8 =	vld [tilespmem:s19+$0xD09A]  }
0x158: {  	v10 =	vld [tilespmem:s19+$0x1803];
	v5 =	vadd.f32 v9, v5  }
0x159: {  	v6 =	vadd.f32 v13, v6;
	v9 =	vld [tilespmem:s19+$0xD89B]  }
0x15a: {  	v13 =	vld [tilespmem:s19+$0x9883];
	v5 =	vadd.f32 v11, v5  }
0x15b: {  	v7 =	vadd.f32 v12, v7;
	v11 =	vld [tilespmem:s19+$0xE09C]  }
0x15c: {  	v12 =	vld [tilespmem:s19+$0x1813];
	v5 =	vadd.f32 v8, v5  }
0x15d: {  	v4 =	vadd.f32 v10, v4;
	v8 =	vld [tilespmem:s19+$0xE89D]  }
0x15e: {  	v10 =	vld [tilespmem:s19+$0x2004];
	v5 =	vadd.f32 v9, v5  }
0x15f: {  	v6 =	vadd.f32 v13, v6;
	v9 =	vld [tilespmem:s19+$0xF09E]  }
0x160: {  	v13 =	vld [tilespmem:s19+$0xA084];
	v5 =	vadd.f32 v11, v5  }
0x161: {  	v7 =	vadd.f32 v12, v7;
	v11 =	vld [tilespmem:s19+$0xF89F]  }
0x162: {  	v12 =	vld [tilespmem:s19+$0x2014];
	v5 =	vadd.f32 v8, v5  }
0x163: {  	v4 =	vadd.f32 v10, v4;
	v8 =	vld [tilespmem:s19+$0x2805]  }
0x164: {  	v10 =	vld [tilespmem:s19+$0xA885];
	v5 =	vadd.f32 v9, v5  }
0x165: {  	v6 =	vadd.f32 v13, v6;
	v9 =	vld [tilespmem:s19+$0x2815]  }
0x166: {  	v13 =	vld [tilespmem:s19+$0x3006];
	v5 =	vadd.f32 v11, v5  }
0x167: {  	v11 =	vld [tilespmem:s19+$0xB086];
	v7 =	vadd.f32 v12, v7  }
0x168: {  	v4 =	vadd.f32 v8, v4;
	v8 =	vld [tilespmem:s19+$0x3016];
	[tilespmem:s19+$0x18910] =	vst v5  }
0x169: {  	v5 =	vadd.f32 v10, v6;
	v6 =	vld [tilespmem:s19+$0x3807]  }
0x16a: {  	v10 =	vld [tilespmem:s19+$0xB887];
	v7 =	vadd.f32 v9, v7  }
0x16b: {  	v4 =	vadd.f32 v13, v4;
	v9 =	vld [tilespmem:s19+$0x3817]  }
0x16c: {  	v5 =	vadd.f32 v11, v5;
	v11 =	vld [tilespmem:s19+$0x4008]  }
0x16d: {  	v12 =	vld [tilespmem:s19+$0xC088];
	v7 =	vadd.f32 v8, v7  }
0x16e: {  	v4 =	vadd.f32 v6, v4;
	v6 =	vld [tilespmem:s19+$0x4018]  }
0x16f: {  	v5 =	vadd.f32 v10, v5;
	v8 =	vld [tilespmem:s19+$0x4809]  }
0x170: {  	v10 =	vld [tilespmem:s19+$0xC889];
	v7 =	vadd.f32 v9, v7  }
0x171: {  	v4 =	vadd.f32 v11, v4;
	v9 =	vld [tilespmem:s19+$0x4819]  }
0x172: {  	v5 =	vadd.f32 v12, v5;
	v11 =	vld [tilespmem:s19+$0x500A]  }
0x173: {  	v12 =	vld [tilespmem:s19+$0xD08A];
	v6 =	vadd.f32 v6, v7  }
0x174: {  	v4 =	vadd.f32 v8, v4;
	v7 =	vld [tilespmem:s19+$0x501A]  }
0x175: {  	v5 =	vadd.f32 v10, v5;
	v8 =	vld [tilespmem:s19+$0x580B]  }
0x176: {  	v10 =	vld [tilespmem:s19+$0xD88B];
	v6 =	vadd.f32 v9, v6  }
0x177: {  	v4 =	vadd.f32 v11, v4;
	v9 =	vld [tilespmem:s19+$0x581B]  }
0x178: {  	v5 =	vadd.f32 v12, v5;
	v11 =	vld [tilespmem:s19+$0x600C]  }
0x179: {  	v12 =	vld [tilespmem:s19+$0xE08C];
	v6 =	vadd.f32 v7, v6  }
0x17a: {  	v4 =	vadd.f32 v8, v4;
	v7 =	vld [tilespmem:s19+$0x601C]  }
0x17b: {  	v5 =	vadd.f32 v10, v5;
	v8 =	vld [tilespmem:s19+$0x680D]  }
0x17c: {  	v10 =	vld [tilespmem:s19+$0xE88D];
	v6 =	vadd.f32 v9, v6  }
0x17d: {  	v9 =	vadd.f32 v11, v4;
	v11 =	vld [tilespmem:s19+$0x681D]  }
.Ltmp8:
0x17e: {  	v12 =	vadd.f32 v12, v5;
	v5 =	vld [tilespmem:s19+$0x700E];
	(pc) =	sbr.rel @p0 .LBB2_18-.Ltmp8, $4  }
0x17f: {  	v4 =	vld [tilespmem:s19+$0xF08E];
	v13 =	vadd.f32 v7, v6  }
0x180: {  	v9 =	vadd.f32 v8, v9;
	v6 =	vld [tilespmem:s19+$0x701E]  }
0x181: {  	v10 =	vadd.f32 v10, v12;
	v7 =	vld [tilespmem:s19+$0x780F]  }
0x182: {  	s20 =	sadd.s32 $0x80, s20;
	v8 =	vld [tilespmem:s19+$0xF88F];
	v11 =	vadd.f32 v11, v13  }
0x183: {  	(xrf2) =	vadd.scan.msk.f32 $0xffff, v3;
	_ =	sdelay $0x4  }
0x184: {  	v3 =	vld [tilespmem:s19+$0x781F]  }
0x185: {  	v5 =	vadd.f32 v5, v9  }
0x186: {  	v4 =	vadd.f32 v4, v10  }
0x187: {  	v6 =	vadd.f32 v6, v11;
	v5 =	vadd.f32 v7, v5  }
0x188: {  	s18 =	sadd.s32 $0x20, s18;
	v4 =	vadd.f32 v8, v4  }
0x189: {  	s18 =	sand.u32 $0x7E0, s18;
	[tilespmem:s19+$0x18100] =	vst v5;
	v3 =	vadd.f32 v3, v6;
	v62, _, _ =	vpop (xrf2)  }
0x18a: {  	s17 =	sadd.s32 $0x1, s17;
	[tilespmem:s18+$0x18900] =	vst v4;
	v63 =	vbroadcast v62, $0xF  }
0x18b: {  	p0 =	sne.s32 s17, s9;
	[tilespmem:s19+$0x18110] =	vst v3  }
.Ltmp9:
0x18c: {  	[tilespmem:$0x19100] =	vst v63;
	(pc) =	sbr.rel @p0 .LBB2_1-.Ltmp9, $4  }
0x18d: {  	[hbm4b:s8+s13] =	stream.strided.scatter [tilespmem:s15], [sflag:$0x3], $0x1080, s14, s13, $0x38;
	[tilespmem:$0x19180] =	vst v63  }
0x18e: {  	_ =	swait.ge [sflag:s16], $0x1080  }
0x18f: {  	[sflag:s16] =	ssyncset.done $0x0  }
0x190: {  	[sflag:s16] =	ssyncadd.s32 $0xFFFFEF80  }
0x191: {  	_ =	sfence.sel $0x180000  }
0x192: {  	[bflag:$0x0] =	sbarrier.arrive $0xFFFF  }
0x193: {  	p0 =	sne.s32 s0, $0x0;
	_ =	strace $0x90000047  }
0x194: {  	s0 =	sadd.s32 @!p0 $0x100000, s1;
	[bflag:$0x2] =	sbarrier.arrive $0xFFFF  }
0x195: {  	[sflag:s0] =	ssyncadd.tile.s32 @!p0 $0x1;
	_ =	shalt  }
.Lfunc_end2:
_tile_overlayer_lowered:
.L_overlay_start_2:
0x196: {  	(tag) =	ssettag $0x2  }
0x197: {  	s0 =	rddreg [dreg:$0x0];
	s2 =	stileid.u32  }
0x198: {  	s1 =	rddreg [dreg:$0x1];
	p0 =	sne.s32 s2, $0x0  }
0x199: {  	s3 =	rddreg [dreg:$0x2];
	[bflag:$0x3] =	sbarrier.arrive $0xFFFF;
	s2 =	simm.s32 @!p0 $0x1C03  }
0x19a: {  	[timem:s3], [sflag:s2] =	dma.local @!p0 [hbm:s0], s1  }
0x19b: {  	s0 =	simm.s32 @!p0 $0x3  }
0x19c: {  	_ =	swait.ge @!p0 [sflag:s0], s1  }
0x19d: {  	s1 =	ssub.s32 @!p0 $0x0, s1;
	[sflag:s0] =	ssyncset.done @!p0 $0x0  }
0x19e: {  	[sflag:s0] =	ssyncadd.s32 @!p0 s1  }
0x19f: {  	[bflag:$0x3] =	sbarrier.arrive $0xFFFF  }
0x1a0: {  	_ =	shalt  }

</sc_bundles>
